<compile_context>
chip_gen: v7x
topology: tpu7x:2x2x1
jax: 0.10.2.dev20260603
libtpu: 0.0.44.dev20260713+nightly
codegen_flags: <defaults>
</compile_context>

<pallas_src>
import functools

import jax
import jax.numpy as jnp
from jax import lax
from jax.experimental import pallas as pl
from jax.experimental.pallas import tpu as pltpu
from jax.experimental.pallas import tpu_sc as plsc

N = 16777216
R = 1048576
L = 16
NC, NS = 2, 16
NW = NC * NS
CHUNK = N // NW
P = 16384
PIECES = CHUNK // P
BPP = P // L
NBUF = 3

_mesh = plsc.VectorSubcoreMesh(core_axis_name="c", subcore_axis_name="s")

_scratch = (
    [pltpu.VMEM((P,), jnp.float32) for _ in range(NBUF)]
    + [pltpu.VMEM_SHARED((NS * NBUF * P,), jnp.float32)]
    + [pltpu.SemaphoreType.DMA for _ in range(4 * NBUF)]
)


@functools.partial(
    pl.kernel,
    mesh=_mesh,
    compiler_params=pltpu.CompilerParams(needs_layout_passes=False),
    out_type=jax.ShapeDtypeStruct((N,), jnp.float32),
    scratch_types=_scratch,
)
def _merge(fixed_hbm, idx_hbm, par_hbm, out_hbm, *scratch):
    bufs = scratch[0:NBUF]
    shared = scratch[NBUF]
    sems = scratch[NBUF + 1:]
    sin_a = sems[0:NBUF]
    sout_a = sems[NBUF:2 * NBUF]
    sin_b = sems[2 * NBUF:3 * NBUF]
    sout_b = sems[3 * NBUF:4 * NBUF]

    wid = lax.axis_index("s") * NC + lax.axis_index("c")
    sid = lax.axis_index("s")
    base = wid * CHUNK

    def start_in(p):
        b = (p // 2) % NBUF
        pbase = pl.multiple_of(base + p * P, P)
        if p % 2 == 0:
            return pltpu.async_copy(fixed_hbm.at[pl.ds(pbase, P)], bufs[b],
                                    sin_a[b])
        soff = pl.multiple_of((sid * NBUF + b) * P, P)
        return pltpu.async_copy(fixed_hbm.at[pl.ds(pbase, P)],
                                shared.at[pl.ds(soff, P)], sin_b[b])

    def start_out(p):
        b = (p // 2) % NBUF
        pbase = pl.multiple_of(base + p * P, P)
        if p % 2 == 0:
            return pltpu.async_copy(bufs[b], out_hbm.at[pl.ds(pbase, P)],
                                    sout_a[b])
        soff = pl.multiple_of((sid * NBUF + b) * P, P)
        return pltpu.async_copy(shared.at[pl.ds(soff, P)],
                                out_hbm.at[pl.ds(pbase, P)], sout_b[b])

    LOOK = 4
    in_cp = {}
    out_cp = {}
    for p in range(min(LOOK, PIECES)):
        in_cp[p] = start_in(p)
    for p in range(PIECES):
        if p + LOOK < PIECES:
            q = p + LOOK
            if q - 2 * NBUF >= 0:
                out_cp[q - 2 * NBUF].wait()
            in_cp[q] = start_in(q)
        in_cp[p].wait()
        out_cp[p] = start_out(p)
    for p in range(max(0, PIECES - 2 * NBUF), PIECES):
        if p in out_cp and (p + LOOK >= PIECES or p + LOOK - 2 * NBUF != p):
            pass
    for p in range(PIECES):
        if p >= PIECES - 2 * NBUF or p + LOOK >= PIECES:
            pass
    waited = set(q - 2 * NBUF for q in range(LOOK, PIECES) if q - 2 * NBUF >= 0)
    for p in range(PIECES):
        if p not in waited:
            out_cp[p].wait()


def kernel(fixed_values, refinable_idx, refinable_params):
    return _merge(fixed_values, refinable_idx, refinable_params)

# --- scband reference (transcript-rebuilt; emitter-appended) ---
"""Pipeline reference for scband-model-65678639891127 (READ-ONLY COPY).

The authoritative reference and input builder live on the scoring server;
editing this copy changes nothing except your own understanding.
"""

import jax, jax.numpy as jnp
import numpy as np

N = 16777216
R = 1048576


def setup_inputs(seed: int = 0) -> dict:
    key = jax.random.key(seed)
    k1, k2, k3 = jax.random.split(key, 3)
    fixed_values = jax.random.normal(k1, (N,), dtype=jnp.float32)
    # Unique, sorted scatter indices: one random slot per stride-16 bucket.
    # This matches the semantics of a boolean refinable_mask (no duplicate
    # positions), which a plain sorted randint cannot guarantee.
    stride = N // R
    offsets = jax.random.randint(k2, (R,), 0, stride, dtype=jnp.int32)
    refinable_idx = (jnp.arange(R, dtype=jnp.int32) * stride + offsets).astype(jnp.int32)
    refinable_params = jax.random.normal(k3, (R,), dtype=jnp.float32)
    return {
        "fixed_values": fixed_values,
        "refinable_idx": refinable_idx,
        "refinable_params": refinable_params,
    }


def reference(fixed_values, refinable_idx, refinable_params):
    # MixedTensor.forward():
    #   result = self.fixed_values.clone()
    #   result[self.refinable_mask] = self.refinable_params
    # Boolean-mask scatter-overwrite == indexed .at[idx].set since mask
    # positions are unique. fixed_values plays the role of the registered
    # buffer; refinable_params is the nn.Parameter.
    result = fixed_values.at[refinable_idx].set(refinable_params)
    return result

if __name__ == "__main__":
    import jax
    _d = setup_inputs()
    print(jax.jit(kernel)(*tuple(_d.values())))

</pallas_src>

<mosaic_0001>
#map = affine_map<(d0, d1) -> (0)>
module attributes {stable_mosaic.version = 14 : i64} {
  func.func @_merge(%arg0: i32, %arg1: i32, %arg2: memref<16777216xf32, #tpu.memory_space<hbm>>, %arg3: memref<1048576xi32, #tpu.memory_space<hbm>>, %arg4: memref<1048576xf32, #tpu.memory_space<hbm>>, %arg5: memref<16777216xf32, #tpu.memory_space<hbm>>, %arg6: memref<16384xf32, #tpu.memory_space<vmem>>, %arg7: memref<16384xf32, #tpu.memory_space<vmem>>, %arg8: memref<16384xf32, #tpu.memory_space<vmem>>, %arg9: memref<786432xf32, #tpu.memory_space<vmem_shared>>, %arg10: memref<!tpu.dma_semaphore, #tpu.memory_space<semaphore_mem>>, %arg11: memref<!tpu.dma_semaphore, #tpu.memory_space<semaphore_mem>>, %arg12: memref<!tpu.dma_semaphore, #tpu.memory_space<semaphore_mem>>, %arg13: memref<!tpu.dma_semaphore, #tpu.memory_space<semaphore_mem>>, %arg14: memref<!tpu.dma_semaphore, #tpu.memory_space<semaphore_mem>>, %arg15: memref<!tpu.dma_semaphore, #tpu.memory_space<semaphore_mem>>, %arg16: memref<!tpu.dma_semaphore, #tpu.memory_space<semaphore_mem>>, %arg17: memref<!tpu.dma_semaphore, #tpu.memory_space<semaphore_mem>>, %arg18: memref<!tpu.dma_semaphore, #tpu.memory_space<semaphore_mem>>, %arg19: memref<!tpu.dma_semaphore, #tpu.memory_space<semaphore_mem>>, %arg20: memref<!tpu.dma_semaphore, #tpu.memory_space<semaphore_mem>>, %arg21: memref<!tpu.dma_semaphore, #tpu.memory_space<semaphore_mem>>) attributes {dimension_semantics = [#tpu.dimension_semantics<core_parallel>, #tpu.dimension_semantics<subcore_parallel>], iteration_bounds = array<i64: 2, 16>, scalar_prefetch = 0 : i64, scratch_operands = 16 : i64, tpu.core_type = #tpu.core_type<sc_vector_subcore>, window_params = [{transform_indices = #map}, {transform_indices = #map}, {transform_indices = #map}, {transform_indices = #map}]} {
    %mul3A = arith.constant 2 : i32
    %mul3A_0 = arith.muli %arg1, %mul3A : i32
    %add3A = arith.addi %mul3A_0, %arg0 : i32
    %mul3A_1 = arith.constant 524288 : i32
    %mul3A_2 = arith.muli %add3A, %mul3A_1 : i32
    %add3A_3 = arith.constant 0 : i32
    %add3A_4 = arith.addi %mul3A_2, %add3A_3 : i32
    %multiple_of3A = tpu.assume_multiple %add3A_4, 16384 : i32
    %dma_start3A = tpu.memref_slice %arg2[%multiple_of3A] : memref<16777216xf32, #tpu.memory_space<hbm>> -> memref<16384xf32, #tpu.memory_space<hbm>>
    %dma_start3A_5 = tpu.memref_slice %arg2[%multiple_of3A] : memref<16777216xf32, #tpu.memory_space<hbm>> -> memref<16384xf32, #tpu.memory_space<hbm>>
    tpu.enqueue_dma source(%dma_start3A_5 : memref<16384xf32, #tpu.memory_space<hbm>>) target(%arg6 : memref<16384xf32, #tpu.memory_space<vmem>>) target_semaphore(%arg10 : memref<!tpu.dma_semaphore, #tpu.memory_space<semaphore_mem>>)
    %add3A_6 = arith.constant 16384 : i32
    %add3A_7 = arith.addi %mul3A_2, %add3A_6 : i32
    %multiple_of3A_8 = tpu.assume_multiple %add3A_7, 16384 : i32
    %mul3A_9 = arith.constant 3 : i32
    %mul3A_10 = arith.muli %arg1, %mul3A_9 : i32
    %add3A_11 = arith.constant 0 : i32
    %add3A_12 = arith.addi %mul3A_10, %add3A_11 : i32
    %mul3A_13 = arith.constant 16384 : i32
    %mul3A_14 = arith.muli %add3A_12, %mul3A_13 : i32
    %multiple_of3A_15 = tpu.assume_multiple %mul3A_14, 16384 : i32
    %dma_start3A_16 = tpu.memref_slice %arg9[%multiple_of3A_15] : memref<786432xf32, #tpu.memory_space<vmem_shared>> -> memref<16384xf32, #tpu.memory_space<vmem_shared>>
    %dma_start3A_17 = tpu.memref_slice %arg2[%multiple_of3A_8] : memref<16777216xf32, #tpu.memory_space<hbm>> -> memref<16384xf32, #tpu.memory_space<hbm>>
    tpu.enqueue_dma source(%dma_start3A_17 : memref<16384xf32, #tpu.memory_space<hbm>>) target(%dma_start3A_16 : memref<16384xf32, #tpu.memory_space<vmem_shared>>) target_semaphore(%arg16 : memref<!tpu.dma_semaphore, #tpu.memory_space<semaphore_mem>>)
    %add3A_18 = arith.constant 32768 : i32
    %add3A_19 = arith.addi %mul3A_2, %add3A_18 : i32
    %multiple_of3A_20 = tpu.assume_multiple %add3A_19, 16384 : i32
    %dma_start3A_21 = tpu.memref_slice %arg2[%multiple_of3A_20] : memref<16777216xf32, #tpu.memory_space<hbm>> -> memref<16384xf32, #tpu.memory_space<hbm>>
    %dma_start3A_22 = tpu.memref_slice %arg2[%multiple_of3A_20] : memref<16777216xf32, #tpu.memory_space<hbm>> -> memref<16384xf32, #tpu.memory_space<hbm>>
    tpu.enqueue_dma source(%dma_start3A_22 : memref<16384xf32, #tpu.memory_space<hbm>>) target(%arg7 : memref<16384xf32, #tpu.memory_space<vmem>>) target_semaphore(%arg11 : memref<!tpu.dma_semaphore, #tpu.memory_space<semaphore_mem>>)
    %add3A_23 = arith.constant 49152 : i32
    %add3A_24 = arith.addi %mul3A_2, %add3A_23 : i32
    %multiple_of3A_25 = tpu.assume_multiple %add3A_24, 16384 : i32
    %mul3A_26 = arith.constant 3 : i32
    %mul3A_27 = arith.muli %arg1, %mul3A_26 : i32
    %add3A_28 = arith.constant 1 : i32
    %add3A_29 = arith.addi %mul3A_27, %add3A_28 : i32
    %mul3A_30 = arith.constant 16384 : i32
    %mul3A_31 = arith.muli %add3A_29, %mul3A_30 : i32
    %multiple_of3A_32 = tpu.assume_multiple %mul3A_31, 16384 : i32
    %dma_start3A_33 = tpu.memref_slice %arg9[%multiple_of3A_32] : memref<786432xf32, #tpu.memory_space<vmem_shared>> -> memref<16384xf32, #tpu.memory_space<vmem_shared>>
    %dma_start3A_34 = tpu.memref_slice %arg2[%multiple_of3A_25] : memref<16777216xf32, #tpu.memory_space<hbm>> -> memref<16384xf32, #tpu.memory_space<hbm>>
    tpu.enqueue_dma source(%dma_start3A_34 : memref<16384xf32, #tpu.memory_space<hbm>>) target(%dma_start3A_33 : memref<16384xf32, #tpu.memory_space<vmem_shared>>) target_semaphore(%arg17 : memref<!tpu.dma_semaphore, #tpu.memory_space<semaphore_mem>>)
    %add3A_35 = arith.constant 65536 : i32
    %add3A_36 = arith.addi %mul3A_2, %add3A_35 : i32
    %multiple_of3A_37 = tpu.assume_multiple %add3A_36, 16384 : i32
    %dma_start3A_38 = tpu.memref_slice %arg2[%multiple_of3A_37] : memref<16777216xf32, #tpu.memory_space<hbm>> -> memref<16384xf32, #tpu.memory_space<hbm>>
    %dma_start3A_39 = tpu.memref_slice %arg2[%multiple_of3A_37] : memref<16777216xf32, #tpu.memory_space<hbm>> -> memref<16384xf32, #tpu.memory_space<hbm>>
    tpu.enqueue_dma source(%dma_start3A_39 : memref<16384xf32, #tpu.memory_space<hbm>>) target(%arg8 : memref<16384xf32, #tpu.memory_space<vmem>>) target_semaphore(%arg12 : memref<!tpu.dma_semaphore, #tpu.memory_space<semaphore_mem>>)
    %dma_wait3A = tpu.memref_slice %arg2[%multiple_of3A] : memref<16777216xf32, #tpu.memory_space<hbm>> -> memref<16384xf32, #tpu.memory_space<hbm>>
    %dma_wait3A_40 = tpu.memref_slice %arg2[%multiple_of3A] : memref<16777216xf32, #tpu.memory_space<hbm>> -> memref<16384xf32, #tpu.memory_space<hbm>>
    tpu.wait_dma2 semaphore(%arg10 : memref<!tpu.dma_semaphore, #tpu.memory_space<semaphore_mem>>) src(%dma_wait3A_40 : memref<16384xf32, #tpu.memory_space<hbm>>) dst(%arg6 : memref<16384xf32, #tpu.memory_space<vmem>>)
    %add3A_41 = arith.constant 0 : i32
    %add3A_42 = arith.addi %mul3A_2, %add3A_41 : i32
    %multiple_of3A_43 = tpu.assume_multiple %add3A_42, 16384 : i32
    %dma_start3A_44 = tpu.memref_slice %arg5[%multiple_of3A_43] : memref<16777216xf32, #tpu.memory_space<hbm>> -> memref<16384xf32, #tpu.memory_space<hbm>>
    %dma_start3A_45 = tpu.memref_slice %arg5[%multiple_of3A_43] : memref<16777216xf32, #tpu.memory_space<hbm>> -> memref<16384xf32, #tpu.memory_space<hbm>>
    tpu.enqueue_dma source(%arg6 : memref<16384xf32, #tpu.memory_space<vmem>>) target(%dma_start3A_45 : memref<16384xf32, #tpu.memory_space<hbm>>) target_semaphore(%arg13 : memref<!tpu.dma_semaphore, #tpu.memory_space<semaphore_mem>>)
    %add3A_46 = arith.constant 81920 : i32
    %add3A_47 = arith.addi %mul3A_2, %add3A_46 : i32
    %multiple_of3A_48 = tpu.assume_multiple %add3A_47, 16384 : i32
    %mul3A_49 = arith.constant 3 : i32
    %mul3A_50 = arith.muli %arg1, %mul3A_49 : i32
    %add3A_51 = arith.constant 2 : i32
    %add3A_52 = arith.addi %mul3A_50, %add3A_51 : i32
    %mul3A_53 = arith.constant 16384 : i32
    %mul3A_54 = arith.muli %add3A_52, %mul3A_53 : i32
    %multiple_of3A_55 = tpu.assume_multiple %mul3A_54, 16384 : i32
    %dma_start3A_56 = tpu.memref_slice %arg9[%multiple_of3A_55] : memref<786432xf32, #tpu.memory_space<vmem_shared>> -> memref<16384xf32, #tpu.memory_space<vmem_shared>>
    %dma_start3A_57 = tpu.memref_slice %arg2[%multiple_of3A_48] : memref<16777216xf32, #tpu.memory_space<hbm>> -> memref<16384xf32, #tpu.memory_space<hbm>>
    tpu.enqueue_dma source(%dma_start3A_57 : memref<16384xf32, #tpu.memory_space<hbm>>) target(%dma_start3A_56 : memref<16384xf32, #tpu.memory_space<vmem_shared>>) target_semaphore(%arg18 : memref<!tpu.dma_semaphore, #tpu.memory_space<semaphore_mem>>)
    %dma_wait3A_58 = tpu.memref_slice %arg9[%multiple_of3A_15] : memref<786432xf32, #tpu.memory_space<vmem_shared>> -> memref<16384xf32, #tpu.memory_space<vmem_shared>>
    %dma_wait3A_59 = tpu.memref_slice %arg2[%multiple_of3A_8] : memref<16777216xf32, #tpu.memory_space<hbm>> -> memref<16384xf32, #tpu.memory_space<hbm>>
    tpu.wait_dma2 semaphore(%arg16 : memref<!tpu.dma_semaphore, #tpu.memory_space<semaphore_mem>>) src(%dma_wait3A_59 : memref<16384xf32, #tpu.memory_space<hbm>>) dst(%dma_wait3A_58 : memref<16384xf32, #tpu.memory_space<vmem_shared>>)
    %add3A_60 = arith.constant 16384 : i32
    %add3A_61 = arith.addi %mul3A_2, %add3A_60 : i32
    %multiple_of3A_62 = tpu.assume_multiple %add3A_61, 16384 : i32
    %mul3A_63 = arith.constant 3 : i32
    %mul3A_64 = arith.muli %arg1, %mul3A_63 : i32
    %add3A_65 = arith.constant 0 : i32
    %add3A_66 = arith.addi %mul3A_64, %add3A_65 : i32
    %mul3A_67 = arith.constant 16384 : i32
    %mul3A_68 = arith.muli %add3A_66, %mul3A_67 : i32
    %multiple_of3A_69 = tpu.assume_multiple %mul3A_68, 16384 : i32
    %dma_start3A_70 = tpu.memref_slice %arg5[%multiple_of3A_62] : memref<16777216xf32, #tpu.memory_space<hbm>> -> memref<16384xf32, #tpu.memory_space<hbm>>
    %dma_start3A_71 = tpu.memref_slice %arg9[%multiple_of3A_69] : memref<786432xf32, #tpu.memory_space<vmem_shared>> -> memref<16384xf32, #tpu.memory_space<vmem_shared>>
    tpu.enqueue_dma source(%dma_start3A_71 : memref<16384xf32, #tpu.memory_space<vmem_shared>>) target(%dma_start3A_70 : memref<16384xf32, #tpu.memory_space<hbm>>) target_semaphore(%arg19 : memref<!tpu.dma_semaphore, #tpu.memory_space<semaphore_mem>>)
    %dma_wait3A_72 = tpu.memref_slice %arg5[%multiple_of3A_43] : memref<16777216xf32, #tpu.memory_space<hbm>> -> memref<16384xf32, #tpu.memory_space<hbm>>
    %dma_wait3A_73 = tpu.memref_slice %arg5[%multiple_of3A_43] : memref<16777216xf32, #tpu.memory_space<hbm>> -> memref<16384xf32, #tpu.memory_space<hbm>>
    tpu.wait_dma2 semaphore(%arg13 : memref<!tpu.dma_semaphore, #tpu.memory_space<semaphore_mem>>) src(%arg6 : memref<16384xf32, #tpu.memory_space<vmem>>) dst(%dma_wait3A_73 : memref<16384xf32, #tpu.memory_space<hbm>>)
    %add3A_74 = arith.constant 98304 : i32
    %add3A_75 = arith.addi %mul3A_2, %add3A_74 : i32
    %multiple_of3A_76 = tpu.assume_multiple %add3A_75, 16384 : i32
    %dma_start3A_77 = tpu.memref_slice %arg2[%multiple_of3A_76] : memref<16777216xf32, #tpu.memory_space<hbm>> -> memref<16384xf32, #tpu.memory_space<hbm>>
    %dma_start3A_78 = tpu.memref_slice %arg2[%multiple_of3A_76] : memref<16777216xf32, #tpu.memory_space<hbm>> -> memref<16384xf32, #tpu.memory_space<hbm>>
    tpu.enqueue_dma source(%dma_start3A_78 : memref<16384xf32, #tpu.memory_space<hbm>>) target(%arg6 : memref<16384xf32, #tpu.memory_space<vmem>>) target_semaphore(%arg10 : memref<!tpu.dma_semaphore, #tpu.memory_space<semaphore_mem>>)
    %dma_wait3A_79 = tpu.memref_slice %arg2[%multiple_of3A_20] : memref<16777216xf32, #tpu.memory_space<hbm>> -> memref<16384xf32, #tpu.memory_space<hbm>>
    %dma_wait3A_80 = tpu.memref_slice %arg2[%multiple_of3A_20] : memref<16777216xf32, #tpu.memory_space<hbm>> -> memref<16384xf32, #tpu.memory_space<hbm>>
    tpu.wait_dma2 semaphore(%arg11 : memref<!tpu.dma_semaphore, #tpu.memory_space<semaphore_mem>>) src(%dma_wait3A_80 : memref<16384xf32, #tpu.memory_space<hbm>>) dst(%arg7 : memref<16384xf32, #tpu.memory_space<vmem>>)
    %add3A_81 = arith.constant 32768 : i32
    %add3A_82 = arith.addi %mul3A_2, %add3A_81 : i32
    %multiple_of3A_83 = tpu.assume_multiple %add3A_82, 16384 : i32
    %dma_start3A_84 = tpu.memref_slice %arg5[%multiple_of3A_83] : memref<16777216xf32, #tpu.memory_space<hbm>> -> memref<16384xf32, #tpu.memory_space<hbm>>
    %dma_start3A_85 = tpu.memref_slice %arg5[%multiple_of3A_83] : memref<16777216xf32, #tpu.memory_space<hbm>> -> memref<16384xf32, #tpu.memory_space<hbm>>
    tpu.enqueue_dma source(%arg7 : memref<16384xf32, #tpu.memory_space<vmem>>) target(%dma_start3A_85 : memref<16384xf32, #tpu.memory_space<hbm>>) target_semaphore(%arg14 : memref<!tpu.dma_semaphore, #tpu.memory_space<semaphore_mem>>)
    %dma_wait3A_86 = tpu.memref_slice %arg5[%multiple_of3A_62] : memref<16777216xf32, #tpu.memory_space<hbm>> -> memref<16384xf32, #tpu.memory_space<hbm>>
    %dma_wait3A_87 = tpu.memref_slice %arg9[%multiple_of3A_69] : memref<786432xf32, #tpu.memory_space<vmem_shared>> -> memref<16384xf32, #tpu.memory_space<vmem_shared>>
    tpu.wait_dma2 semaphore(%arg19 : memref<!tpu.dma_semaphore, #tpu.memory_space<semaphore_mem>>) src(%dma_wait3A_87 : memref<16384xf32, #tpu.memory_space<vmem_shared>>) dst(%dma_wait3A_86 : memref<16384xf32, #tpu.memory_space<hbm>>)
    %add3A_88 = arith.constant 114688 : i32
    %add3A_89 = arith.addi %mul3A_2, %add3A_88 : i32
    %multiple_of3A_90 = tpu.assume_multiple %add3A_89, 16384 : i32
    %mul3A_91 = arith.constant 3 : i32
    %mul3A_92 = arith.muli %arg1, %mul3A_91 : i32
    %add3A_93 = arith.constant 0 : i32
    %add3A_94 = arith.addi %mul3A_92, %add3A_93 : i32
    %mul3A_95 = arith.constant 16384 : i32
    %mul3A_96 = arith.muli %add3A_94, %mul3A_95 : i32
    %multiple_of3A_97 = tpu.assume_multiple %mul3A_96, 16384 : i32
    %dma_start3A_98 = tpu.memref_slice %arg9[%multiple_of3A_97] : memref<786432xf32, #tpu.memory_space<vmem_shared>> -> memref<16384xf32, #tpu.memory_space<vmem_shared>>
    %dma_start3A_99 = tpu.memref_slice %arg2[%multiple_of3A_90] : memref<16777216xf32, #tpu.memory_space<hbm>> -> memref<16384xf32, #tpu.memory_space<hbm>>
    tpu.enqueue_dma source(%dma_start3A_99 : memref<16384xf32, #tpu.memory_space<hbm>>) target(%dma_start3A_98 : memref<16384xf32, #tpu.memory_space<vmem_shared>>) target_semaphore(%arg16 : memref<!tpu.dma_semaphore, #tpu.memory_space<semaphore_mem>>)
    %dma_wait3A_100 = tpu.memref_slice %arg9[%multiple_of3A_32] : memref<786432xf32, #tpu.memory_space<vmem_shared>> -> memref<16384xf32, #tpu.memory_space<vmem_shared>>
    %dma_wait3A_101 = tpu.memref_slice %arg2[%multiple_of3A_25] : memref<16777216xf32, #tpu.memory_space<hbm>> -> memref<16384xf32, #tpu.memory_space<hbm>>
    tpu.wait_dma2 semaphore(%arg17 : memref<!tpu.dma_semaphore, #tpu.memory_space<semaphore_mem>>) src(%dma_wait3A_101 : memref<16384xf32, #tpu.memory_space<hbm>>) dst(%dma_wait3A_100 : memref<16384xf32, #tpu.memory_space<vmem_shared>>)
    %add3A_102 = arith.constant 49152 : i32
    %add3A_103 = arith.addi %mul3A_2, %add3A_102 : i32
    %multiple_of3A_104 = tpu.assume_multiple %add3A_103, 16384 : i32
    %mul3A_105 = arith.constant 3 : i32
    %mul3A_106 = arith.muli %arg1, %mul3A_105 : i32
    %add3A_107 = arith.constant 1 : i32
    %add3A_108 = arith.addi %mul3A_106, %add3A_107 : i32
    %mul3A_109 = arith.constant 16384 : i32
    %mul3A_110 = arith.muli %add3A_108, %mul3A_109 : i32
    %multiple_of3A_111 = tpu.assume_multiple %mul3A_110, 16384 : i32
    %dma_start3A_112 = tpu.memref_slice %arg5[%multiple_of3A_104] : memref<16777216xf32, #tpu.memory_space<hbm>> -> memref<16384xf32, #tpu.memory_space<hbm>>
    %dma_start3A_113 = tpu.memref_slice %arg9[%multiple_of3A_111] : memref<786432xf32, #tpu.memory_space<vmem_shared>> -> memref<16384xf32, #tpu.memory_space<vmem_shared>>
    tpu.enqueue_dma source(%dma_start3A_113 : memref<16384xf32, #tpu.memory_space<vmem_shared>>) target(%dma_start3A_112 : memref<16384xf32, #tpu.memory_space<hbm>>) target_semaphore(%arg20 : memref<!tpu.dma_semaphore, #tpu.memory_space<semaphore_mem>>)
    %dma_wait3A_114 = tpu.memref_slice %arg5[%multiple_of3A_83] : memref<16777216xf32, #tpu.memory_space<hbm>> -> memref<16384xf32, #tpu.memory_space<hbm>>
    %dma_wait3A_115 = tpu.memref_slice %arg5[%multiple_of3A_83] : memref<16777216xf32, #tpu.memory_space<hbm>> -> memref<16384xf32, #tpu.memory_space<hbm>>
    tpu.wait_dma2 semaphore(%arg14 : memref<!tpu.dma_semaphore, #tpu.memory_space<semaphore_mem>>) src(%arg7 : memref<16384xf32, #tpu.memory_space<vmem>>) dst(%dma_wait3A_115 : memref<16384xf32, #tpu.memory_space<hbm>>)
    %add3A_116 = arith.constant 131072 : i32
    %add3A_117 = arith.addi %mul3A_2, %add3A_116 : i32
    %multiple_of3A_118 = tpu.assume_multiple %add3A_117, 16384 : i32
    %dma_start3A_119 = tpu.memref_slice %arg2[%multiple_of3A_118] : memref<16777216xf32, #tpu.memory_space<hbm>> -> memref<16384xf32, #tpu.memory_space<hbm>>
    %dma_start3A_120 = tpu.memref_slice %arg2[%multiple_of3A_118] : memref<16777216xf32, #tpu.memory_space<hbm>> -> memref<16384xf32, #tpu.memory_space<hbm>>
    tpu.enqueue_dma source(%dma_start3A_120 : memref<16384xf32, #tpu.memory_space<hbm>>) target(%arg7 : memref<16384xf32, #tpu.memory_space<vmem>>) target_semaphore(%arg11 : memref<!tpu.dma_semaphore, #tpu.memory_space<semaphore_mem>>)
    %dma_wait3A_121 = tpu.memref_slice %arg2[%multiple_of3A_37] : memref<16777216xf32, #tpu.memory_space<hbm>> -> memref<16384xf32, #tpu.memory_space<hbm>>
    %dma_wait3A_122 = tpu.memref_slice %arg2[%multiple_of3A_37] : memref<16777216xf32, #tpu.memory_space<hbm>> -> memref<16384xf32, #tpu.memory_space<hbm>>
    tpu.wait_dma2 semaphore(%arg12 : memref<!tpu.dma_semaphore, #tpu.memory_space<semaphore_mem>>) src(%dma_wait3A_122 : memref<16384xf32, #tpu.memory_space<hbm>>) dst(%arg8 : memref<16384xf32, #tpu.memory_space<vmem>>)
    %add3A_123 = arith.constant 65536 : i32
    %add3A_124 = arith.addi %mul3A_2, %add3A_123 : i32
    %multiple_of3A_125 = tpu.assume_multiple %add3A_124, 16384 : i32
    %dma_start3A_126 = tpu.memref_slice %arg5[%multiple_of3A_125] : memref<16777216xf32, #tpu.memory_space<hbm>> -> memref<16384xf32, #tpu.memory_space<hbm>>
    %dma_start3A_127 = tpu.memref_slice %arg5[%multiple_of3A_125] : memref<16777216xf32, #tpu.memory_space<hbm>> -> memref<16384xf32, #tpu.memory_space<hbm>>
    tpu.enqueue_dma source(%arg8 : memref<16384xf32, #tpu.memory_space<vmem>>) target(%dma_start3A_127 : memref<16384xf32, #tpu.memory_space<hbm>>) target_semaphore(%arg15 : memref<!tpu.dma_semaphore, #tpu.memory_space<semaphore_mem>>)
    %dma_wait3A_128 = tpu.memref_slice %arg5[%multiple_of3A_104] : memref<16777216xf32, #tpu.memory_space<hbm>> -> memref<16384xf32, #tpu.memory_space<hbm>>
    %dma_wait3A_129 = tpu.memref_slice %arg9[%multiple_of3A_111] : memref<786432xf32, #tpu.memory_space<vmem_shared>> -> memref<16384xf32, #tpu.memory_space<vmem_shared>>
    tpu.wait_dma2 semaphore(%arg20 : memref<!tpu.dma_semaphore, #tpu.memory_space<semaphore_mem>>) src(%dma_wait3A_129 : memref<16384xf32, #tpu.memory_space<vmem_shared>>) dst(%dma_wait3A_128 : memref<16384xf32, #tpu.memory_space<hbm>>)
    %add3A_130 = arith.constant 147456 : i32
    %add3A_131 = arith.addi %mul3A_2, %add3A_130 : i32
    %multiple_of3A_132 = tpu.assume_multiple %add3A_131, 16384 : i32
    %mul3A_133 = arith.constant 3 : i32
    %mul3A_134 = arith.muli %arg1, %mul3A_133 : i32
    %add3A_135 = arith.constant 1 : i32
    %add3A_136 = arith.addi %mul3A_134, %add3A_135 : i32
    %mul3A_137 = arith.constant 16384 : i32
    %mul3A_138 = arith.muli %add3A_136, %mul3A_137 : i32
    %multiple_of3A_139 = tpu.assume_multiple %mul3A_138, 16384 : i32
    %dma_start3A_140 = tpu.memref_slice %arg9[%multiple_of3A_139] : memref<786432xf32, #tpu.memory_space<vmem_shared>> -> memref<16384xf32, #tpu.memory_space<vmem_shared>>
    %dma_start3A_141 = tpu.memref_slice %arg2[%multiple_of3A_132] : memref<16777216xf32, #tpu.memory_space<hbm>> -> memref<16384xf32, #tpu.memory_space<hbm>>
    tpu.enqueue_dma source(%dma_start3A_141 : memref<16384xf32, #tpu.memory_space<hbm>>) target(%dma_start3A_140 : memref<16384xf32, #tpu.memory_space<vmem_shared>>) target_semaphore(%arg17 : memref<!tpu.dma_semaphore, #tpu.memory_space<semaphore_mem>>)
    %dma_wait3A_142 = tpu.memref_slice %arg9[%multiple_of3A_55] : memref<786432xf32, #tpu.memory_space<vmem_shared>> -> memref<16384xf32, #tpu.memory_space<vmem_shared>>
    %dma_wait3A_143 = tpu.memref_slice %arg2[%multiple_of3A_48] : memref<16777216xf32, #tpu.memory_space<hbm>> -> memref<16384xf32, #tpu.memory_space<hbm>>
    tpu.wait_dma2 semaphore(%arg18 : memref<!tpu.dma_semaphore, #tpu.memory_space<semaphore_mem>>) src(%dma_wait3A_143 : memref<16384xf32, #tpu.memory_space<hbm>>) dst(%dma_wait3A_142 : memref<16384xf32, #tpu.memory_space<vmem_shared>>)
    %add3A_144 = arith.constant 81920 : i32
    %add3A_145 = arith.addi %mul3A_2, %add3A_144 : i32
    %multiple_of3A_146 = tpu.assume_multiple %add3A_145, 16384 : i32
    %mul3A_147 = arith.constant 3 : i32
    %mul3A_148 = arith.muli %arg1, %mul3A_147 : i32
    %add3A_149 = arith.constant 2 : i32
    %add3A_150 = arith.addi %mul3A_148, %add3A_149 : i32
    %mul3A_151 = arith.constant 16384 : i32
    %mul3A_152 = arith.muli %add3A_150, %mul3A_151 : i32
    %multiple_of3A_153 = tpu.assume_multiple %mul3A_152, 16384 : i32
    %dma_start3A_154 = tpu.memref_slice %arg5[%multiple_of3A_146] : memref<16777216xf32, #tpu.memory_space<hbm>> -> memref<16384xf32, #tpu.memory_space<hbm>>
    %dma_start3A_155 = tpu.memref_slice %arg9[%multiple_of3A_153] : memref<786432xf32, #tpu.memory_space<vmem_shared>> -> memref<16384xf32, #tpu.memory_space<vmem_shared>>
    tpu.enqueue_dma source(%dma_start3A_155 : memref<16384xf32, #tpu.memory_space<vmem_shared>>) target(%dma_start3A_154 : memref<16384xf32, #tpu.memory_space<hbm>>) target_semaphore(%arg21 : memref<!tpu.dma_semaphore, #tpu.memory_space<semaphore_mem>>)
    %dma_wait3A_156 = tpu.memref_slice %arg5[%multiple_of3A_125] : memref<16777216xf32, #tpu.memory_space<hbm>> -> memref<16384xf32, #tpu.memory_space<hbm>>
    %dma_wait3A_157 = tpu.memref_slice %arg5[%multiple_of3A_125] : memref<16777216xf32, #tpu.memory_space<hbm>> -> memref<16384xf32, #tpu.memory_space<hbm>>
    tpu.wait_dma2 semaphore(%arg15 : memref<!tpu.dma_semaphore, #tpu.memory_space<semaphore_mem>>) src(%arg8 : memref<16384xf32, #tpu.memory_space<vmem>>) dst(%dma_wait3A_157 : memref<16384xf32, #tpu.memory_space<hbm>>)
    %add3A_158 = arith.constant 163840 : i32
    %add3A_159 = arith.addi %mul3A_2, %add3A_158 : i32
    %multiple_of3A_160 = tpu.assume_multiple %add3A_159, 16384 : i32
    %dma_start3A_161 = tpu.memref_slice %arg2[%multiple_of3A_160] : memref<16777216xf32, #tpu.memory_space<hbm>> -> memref<16384xf32, #tpu.memory_space<hbm>>
    %dma_start3A_162 = tpu.memref_slice %arg2[%multiple_of3A_160] : memref<16777216xf32, #tpu.memory_space<hbm>> -> memref<16384xf32, #tpu.memory_space<hbm>>
    tpu.enqueue_dma source(%dma_start3A_162 : memref<16384xf32, #tpu.memory_space<hbm>>) target(%arg8 : memref<16384xf32, #tpu.memory_space<vmem>>) target_semaphore(%arg12 : memref<!tpu.dma_semaphore, #tpu.memory_space<semaphore_mem>>)
    %dma_wait3A_163 = tpu.memref_slice %arg2[%multiple_of3A_76] : memref<16777216xf32, #tpu.memory_space<hbm>> -> memref<16384xf32, #tpu.memory_space<hbm>>
    %dma_wait3A_164 = tpu.memref_slice %arg2[%multiple_of3A_76] : memref<16777216xf32, #tpu.memory_space<hbm>> -> memref<16384xf32, #tpu.memory_space<hbm>>
    tpu.wait_dma2 semaphore(%arg10 : memref<!tpu.dma_semaphore, #tpu.memory_space<semaphore_mem>>) src(%dma_wait3A_164 : memref<16384xf32, #tpu.memory_space<hbm>>) dst(%arg6 : memref<16384xf32, #tpu.memory_space<vmem>>)
    %add3A_165 = arith.constant 98304 : i32
    %add3A_166 = arith.addi %mul3A_2, %add3A_165 : i32
    %multiple_of3A_167 = tpu.assume_multiple %add3A_166, 16384 : i32
    %dma_start3A_168 = tpu.memref_slice %arg5[%multiple_of3A_167] : memref<16777216xf32, #tpu.memory_space<hbm>> -> memref<16384xf32, #tpu.memory_space<hbm>>
    %dma_start3A_169 = tpu.memref_slice %arg5[%multiple_of3A_167] : memref<16777216xf32, #tpu.memory_space<hbm>> -> memref<16384xf32, #tpu.memory_space<hbm>>
    tpu.enqueue_dma source(%arg6 : memref<16384xf32, #tpu.memory_space<vmem>>) target(%dma_start3A_169 : memref<16384xf32, #tpu.memory_space<hbm>>) target_semaphore(%arg13 : memref<!tpu.dma_semaphore, #tpu.memory_space<semaphore_mem>>)
    %dma_wait3A_170 = tpu.memref_slice %arg5[%multiple_of3A_146] : memref<16777216xf32, #tpu.memory_space<hbm>> -> memref<16384xf32, #tpu.memory_space<hbm>>
    %dma_wait3A_171 = tpu.memref_slice %arg9[%multiple_of3A_153] : memref<786432xf32, #tpu.memory_space<vmem_shared>> -> memref<16384xf32, #tpu.memory_space<vmem_shared>>
    tpu.wait_dma2 semaphore(%arg21 : memref<!tpu.dma_semaphore, #tpu.memory_space<semaphore_mem>>) src(%dma_wait3A_171 : memref<16384xf32, #tpu.memory_space<vmem_shared>>) dst(%dma_wait3A_170 : memref<16384xf32, #tpu.memory_space<hbm>>)
    %add3A_172 = arith.constant 180224 : i32
    %add3A_173 = arith.addi %mul3A_2, %add3A_172 : i32
    %multiple_of3A_174 = tpu.assume_multiple %add3A_173, 16384 : i32
    %mul3A_175 = arith.constant 3 : i32
    %mul3A_176 = arith.muli %arg1, %mul3A_175 : i32
    %add3A_177 = arith.constant 2 : i32
    %add3A_178 = arith.addi %mul3A_176, %add3A_177 : i32
    %mul3A_179 = arith.constant 16384 : i32
    %mul3A_180 = arith.muli %add3A_178, %mul3A_179 : i32
    %multiple_of3A_181 = tpu.assume_multiple %mul3A_180, 16384 : i32
    %dma_start3A_182 = tpu.memref_slice %arg9[%multiple_of3A_181] : memref<786432xf32, #tpu.memory_space<vmem_shared>> -> memref<16384xf32, #tpu.memory_space<vmem_shared>>
    %dma_start3A_183 = tpu.memref_slice %arg2[%multiple_of3A_174] : memref<16777216xf32, #tpu.memory_space<hbm>> -> memref<16384xf32, #tpu.memory_space<hbm>>
    tpu.enqueue_dma source(%dma_start3A_183 : memref<16384xf32, #tpu.memory_space<hbm>>) target(%dma_start3A_182 : memref<16384xf32, #tpu.memory_space<vmem_shared>>) target_semaphore(%arg18 : memref<!tpu.dma_semaphore, #tpu.memory_space<semaphore_mem>>)
    %dma_wait3A_184 = tpu.memref_slice %arg9[%multiple_of3A_97] : memref<786432xf32, #tpu.memory_space<vmem_shared>> -> memref<16384xf32, #tpu.memory_space<vmem_shared>>
    %dma_wait3A_185 = tpu.memref_slice %arg2[%multiple_of3A_90] : memref<16777216xf32, #tpu.memory_space<hbm>> -> memref<16384xf32, #tpu.memory_space<hbm>>
    tpu.wait_dma2 semaphore(%arg16 : memref<!tpu.dma_semaphore, #tpu.memory_space<semaphore_mem>>) src(%dma_wait3A_185 : memref<16384xf32, #tpu.memory_space<hbm>>) dst(%dma_wait3A_184 : memref<16384xf32, #tpu.memory_space<vmem_shared>>)
    %add3A_186 = arith.constant 114688 : i32
    %add3A_187 = arith.addi %mul3A_2, %add3A_186 : i32
    %multiple_of3A_188 = tpu.assume_multiple %add3A_187, 16384 : i32
    %mul3A_189 = arith.constant 3 : i32
    %mul3A_190 = arith.muli %arg1, %mul3A_189 : i32
    %add3A_191 = arith.constant 0 : i32
    %add3A_192 = arith.addi %mul3A_190, %add3A_191 : i32
    %mul3A_193 = arith.constant 16384 : i32
    %mul3A_194 = arith.muli %add3A_192, %mul3A_193 : i32
    %multiple_of3A_195 = tpu.assume_multiple %mul3A_194, 16384 : i32
    %dma_start3A_196 = tpu.memref_slice %arg5[%multiple_of3A_188] : memref<16777216xf32, #tpu.memory_space<hbm>> -> memref<16384xf32, #tpu.memory_space<hbm>>
    %dma_start3A_197 = tpu.memref_slice %arg9[%multiple_of3A_195] : memref<786432xf32, #tpu.memory_space<vmem_shared>> -> memref<16384xf32, #tpu.memory_space<vmem_shared>>
    tpu.enqueue_dma source(%dma_start3A_197 : memref<16384xf32, #tpu.memory_space<vmem_shared>>) target(%dma_start3A_196 : memref<16384xf32, #tpu.memory_space<hbm>>) target_semaphore(%arg19 : memref<!tpu.dma_semaphore, #tpu.memory_space<semaphore_mem>>)
    %dma_wait3A_198 = tpu.memref_slice %arg5[%multiple_of3A_167] : memref<16777216xf32, #tpu.memory_space<hbm>> -> memref<16384xf32, #tpu.memory_space<hbm>>
    %dma_wait3A_199 = tpu.memref_slice %arg5[%multiple_of3A_167] : memref<16777216xf32, #tpu.memory_space<hbm>> -> memref<16384xf32, #tpu.memory_space<hbm>>
    tpu.wait_dma2 semaphore(%arg13 : memref<!tpu.dma_semaphore, #tpu.memory_space<semaphore_mem>>) src(%arg6 : memref<16384xf32, #tpu.memory_space<vmem>>) dst(%dma_wait3A_199 : memref<16384xf32, #tpu.memory_space<hbm>>)
    %add3A_200 = arith.constant 196608 : i32
    %add3A_201 = arith.addi %mul3A_2, %add3A_200 : i32
    %multiple_of3A_202 = tpu.assume_multiple %add3A_201, 16384 : i32
    %dma_start3A_203 = tpu.memref_slice %arg2[%multiple_of3A_202] : memref<16777216xf32, #tpu.memory_space<hbm>> -> memref<16384xf32, #tpu.memory_space<hbm>>
    %dma_start3A_204 = tpu.memref_slice %arg2[%multiple_of3A_202] : memref<16777216xf32, #tpu.memory_space<hbm>> -> memref<16384xf32, #tpu.memory_space<hbm>>
    tpu.enqueue_dma source(%dma_start3A_204 : memref<16384xf32, #tpu.memory_space<hbm>>) target(%arg6 : memref<16384xf32, #tpu.memory_space<vmem>>) target_semaphore(%arg10 : memref<!tpu.dma_semaphore, #tpu.memory_space<semaphore_mem>>)
    %dma_wait3A_205 = tpu.memref_slice %arg2[%multiple_of3A_118] : memref<16777216xf32, #tpu.memory_space<hbm>> -> memref<16384xf32, #tpu.memory_space<hbm>>
    %dma_wait3A_206 = tpu.memref_slice %arg2[%multiple_of3A_118] : memref<16777216xf32, #tpu.memory_space<hbm>> -> memref<16384xf32, #tpu.memory_space<hbm>>
    tpu.wait_dma2 semaphore(%arg11 : memref<!tpu.dma_semaphore, #tpu.memory_space<semaphore_mem>>) src(%dma_wait3A_206 : memref<16384xf32, #tpu.memory_space<hbm>>) dst(%arg7 : memref<16384xf32, #tpu.memory_space<vmem>>)
    %add3A_207 = arith.constant 131072 : i32
    %add3A_208 = arith.addi %mul3A_2, %add3A_207 : i32
    %multiple_of3A_209 = tpu.assume_multiple %add3A_208, 16384 : i32
    %dma_start3A_210 = tpu.memref_slice %arg5[%multiple_of3A_209] : memref<16777216xf32, #tpu.memory_space<hbm>> -> memref<16384xf32, #tpu.memory_space<hbm>>
    %dma_start3A_211 = tpu.memref_slice %arg5[%multiple_of3A_209] : memref<16777216xf32, #tpu.memory_space<hbm>> -> memref<16384xf32, #tpu.memory_space<hbm>>
    tpu.enqueue_dma source(%arg7 : memref<16384xf32, #tpu.memory_space<vmem>>) target(%dma_start3A_211 : memref<16384xf32, #tpu.memory_space<hbm>>) target_semaphore(%arg14 : memref<!tpu.dma_semaphore, #tpu.memory_space<semaphore_mem>>)
    %dma_wait3A_212 = tpu.memref_slice %arg5[%multiple_of3A_188] : memref<16777216xf32, #tpu.memory_space<hbm>> -> memref<16384xf32, #tpu.memory_space<hbm>>
    %dma_wait3A_213 = tpu.memref_slice %arg9[%multiple_of3A_195] : memref<786432xf32, #tpu.memory_space<vmem_shared>> -> memref<16384xf32, #tpu.memory_space<vmem_shared>>
    tpu.wait_dma2 semaphore(%arg19 : memref<!tpu.dma_semaphore, #tpu.memory_space<semaphore_mem>>) src(%dma_wait3A_213 : memref<16384xf32, #tpu.memory_space<vmem_shared>>) dst(%dma_wait3A_212 : memref<16384xf32, #tpu.memory_space<hbm>>)
    %add3A_214 = arith.constant 212992 : i32
    %add3A_215 = arith.addi %mul3A_2, %add3A_214 : i32
    %multiple_of3A_216 = tpu.assume_multiple %add3A_215, 16384 : i32
    %mul3A_217 = arith.constant 3 : i32
    %mul3A_218 = arith.muli %arg1, %mul3A_217 : i32
    %add3A_219 = arith.constant 0 : i32
    %add3A_220 = arith.addi %mul3A_218, %add3A_219 : i32
    %mul3A_221 = arith.constant 16384 : i32
    %mul3A_222 = arith.muli %add3A_220, %mul3A_221 : i32
    %multiple_of3A_223 = tpu.assume_multiple %mul3A_222, 16384 : i32
    %dma_start3A_224 = tpu.memref_slice %arg9[%multiple_of3A_223] : memref<786432xf32, #tpu.memory_space<vmem_shared>> -> memref<16384xf32, #tpu.memory_space<vmem_shared>>
    %dma_start3A_225 = tpu.memref_slice %arg2[%multiple_of3A_216] : memref<16777216xf32, #tpu.memory_space<hbm>> -> memref<16384xf32, #tpu.memory_space<hbm>>
    tpu.enqueue_dma source(%dma_start3A_225 : memref<16384xf32, #tpu.memory_space<hbm>>) target(%dma_start3A_224 : memref<16384xf32, #tpu.memory_space<vmem_shared>>) target_semaphore(%arg16 : memref<!tpu.dma_semaphore, #tpu.memory_space<semaphore_mem>>)
    %dma_wait3A_226 = tpu.memref_slice %arg9[%multiple_of3A_139] : memref<786432xf32, #tpu.memory_space<vmem_shared>> -> memref<16384xf32, #tpu.memory_space<vmem_shared>>
    %dma_wait3A_227 = tpu.memref_slice %arg2[%multiple_of3A_132] : memref<16777216xf32, #tpu.memory_space<hbm>> -> memref<16384xf32, #tpu.memory_space<hbm>>
    tpu.wait_dma2 semaphore(%arg17 : memref<!tpu.dma_semaphore, #tpu.memory_space<semaphore_mem>>) src(%dma_wait3A_227 : memref<16384xf32, #tpu.memory_space<hbm>>) dst(%dma_wait3A_226 : memref<16384xf32, #tpu.memory_space<vmem_shared>>)
    %add3A_228 = arith.constant 147456 : i32
    %add3A_229 = arith.addi %mul3A_2, %add3A_228 : i32
    %multiple_of3A_230 = tpu.assume_multiple %add3A_229, 16384 : i32
    %mul3A_231 = arith.constant 3 : i32
    %mul3A_232 = arith.muli %arg1, %mul3A_231 : i32
    %add3A_233 = arith.constant 1 : i32
    %add3A_234 = arith.addi %mul3A_232, %add3A_233 : i32
    %mul3A_235 = arith.constant 16384 : i32
    %mul3A_236 = arith.muli %add3A_234, %mul3A_235 : i32
    %multiple_of3A_237 = tpu.assume_multiple %mul3A_236, 16384 : i32
    %dma_start3A_238 = tpu.memref_slice %arg5[%multiple_of3A_230] : memref<16777216xf32, #tpu.memory_space<hbm>> -> memref<16384xf32, #tpu.memory_space<hbm>>
    %dma_start3A_239 = tpu.memref_slice %arg9[%multiple_of3A_237] : memref<786432xf32, #tpu.memory_space<vmem_shared>> -> memref<16384xf32, #tpu.memory_space<vmem_shared>>
    tpu.enqueue_dma source(%dma_start3A_239 : memref<16384xf32, #tpu.memory_space<vmem_shared>>) target(%dma_start3A_238 : memref<16384xf32, #tpu.memory_space<hbm>>) target_semaphore(%arg20 : memref<!tpu.dma_semaphore, #tpu.memory_space<semaphore_mem>>)
    %dma_wait3A_240 = tpu.memref_slice %arg5[%multiple_of3A_209] : memref<16777216xf32, #tpu.memory_space<hbm>> -> memref<16384xf32, #tpu.memory_space<hbm>>
    %dma_wait3A_241 = tpu.memref_slice %arg5[%multiple_of3A_209] : memref<16777216xf32, #tpu.memory_space<hbm>> -> memref<16384xf32, #tpu.memory_space<hbm>>
    tpu.wait_dma2 semaphore(%arg14 : memref<!tpu.dma_semaphore, #tpu.memory_space<semaphore_mem>>) src(%arg7 : memref<16384xf32, #tpu.memory_space<vmem>>) dst(%dma_wait3A_241 : memref<16384xf32, #tpu.memory_space<hbm>>)
    %add3A_242 = arith.constant 229376 : i32
    %add3A_243 = arith.addi %mul3A_2, %add3A_242 : i32
    %multiple_of3A_244 = tpu.assume_multiple %add3A_243, 16384 : i32
    %dma_start3A_245 = tpu.memref_slice %arg2[%multiple_of3A_244] : memref<16777216xf32, #tpu.memory_space<hbm>> -> memref<16384xf32, #tpu.memory_space<hbm>>
    %dma_start3A_246 = tpu.memref_slice %arg2[%multiple_of3A_244] : memref<16777216xf32, #tpu.memory_space<hbm>> -> memref<16384xf32, #tpu.memory_space<hbm>>
    tpu.enqueue_dma source(%dma_start3A_246 : memref<16384xf32, #tpu.memory_space<hbm>>) target(%arg7 : memref<16384xf32, #tpu.memory_space<vmem>>) target_semaphore(%arg11 : memref<!tpu.dma_semaphore, #tpu.memory_space<semaphore_mem>>)
    %dma_wait3A_247 = tpu.memref_slice %arg2[%multiple_of3A_160] : memref<16777216xf32, #tpu.memory_space<hbm>> -> memref<16384xf32, #tpu.memory_space<hbm>>
    %dma_wait3A_248 = tpu.memref_slice %arg2[%multiple_of3A_160] : memref<16777216xf32, #tpu.memory_space<hbm>> -> memref<16384xf32, #tpu.memory_space<hbm>>
    tpu.wait_dma2 semaphore(%arg12 : memref<!tpu.dma_semaphore, #tpu.memory_space<semaphore_mem>>) src(%dma_wait3A_248 : memref<16384xf32, #tpu.memory_space<hbm>>) dst(%arg8 : memref<16384xf32, #tpu.memory_space<vmem>>)
    %add3A_249 = arith.constant 163840 : i32
    %add3A_250 = arith.addi %mul3A_2, %add3A_249 : i32
    %multiple_of3A_251 = tpu.assume_multiple %add3A_250, 16384 : i32
    %dma_start3A_252 = tpu.memref_slice %arg5[%multiple_of3A_251] : memref<16777216xf32, #tpu.memory_space<hbm>> -> memref<16384xf32, #tpu.memory_space<hbm>>
    %dma_start3A_253 = tpu.memref_slice %arg5[%multiple_of3A_251] : memref<16777216xf32, #tpu.memory_space<hbm>> -> memref<16384xf32, #tpu.memory_space<hbm>>
    tpu.enqueue_dma source(%arg8 : memref<16384xf32, #tpu.memory_space<vmem>>) target(%dma_start3A_253 : memref<16384xf32, #tpu.memory_space<hbm>>) target_semaphore(%arg15 : memref<!tpu.dma_semaphore, #tpu.memory_space<semaphore_mem>>)
    %dma_wait3A_254 = tpu.memref_slice %arg5[%multiple_of3A_230] : memref<16777216xf32, #tpu.memory_space<hbm>> -> memref<16384xf32, #tpu.memory_space<hbm>>
    %dma_wait3A_255 = tpu.memref_slice %arg9[%multiple_of3A_237] : memref<786432xf32, #tpu.memory_space<vmem_shared>> -> memref<16384xf32, #tpu.memory_space<vmem_shared>>
    tpu.wait_dma2 semaphore(%arg20 : memref<!tpu.dma_semaphore, #tpu.memory_space<semaphore_mem>>) src(%dma_wait3A_255 : memref<16384xf32, #tpu.memory_space<vmem_shared>>) dst(%dma_wait3A_254 : memref<16384xf32, #tpu.memory_space<hbm>>)
    %add3A_256 = arith.constant 245760 : i32
    %add3A_257 = arith.addi %mul3A_2, %add3A_256 : i32
    %multiple_of3A_258 = tpu.assume_multiple %add3A_257, 16384 : i32
    %mul3A_259 = arith.constant 3 : i32
    %mul3A_260 = arith.muli %arg1, %mul3A_259 : i32
    %add3A_261 = arith.constant 1 : i32
    %add3A_262 = arith.addi %mul3A_260, %add3A_261 : i32
    %mul3A_263 = arith.constant 16384 : i32
    %mul3A_264 = arith.muli %add3A_262, %mul3A_263 : i32
    %multiple_of3A_265 = tpu.assume_multiple %mul3A_264, 16384 : i32
    %dma_start3A_266 = tpu.memref_slice %arg9[%multiple_of3A_265] : memref<786432xf32, #tpu.memory_space<vmem_shared>> -> memref<16384xf32, #tpu.memory_space<vmem_shared>>
    %dma_start3A_267 = tpu.memref_slice %arg2[%multiple_of3A_258] : memref<16777216xf32, #tpu.memory_space<hbm>> -> memref<16384xf32, #tpu.memory_space<hbm>>
    tpu.enqueue_dma source(%dma_start3A_267 : memref<16384xf32, #tpu.memory_space<hbm>>) target(%dma_start3A_266 : memref<16384xf32, #tpu.memory_space<vmem_shared>>) target_semaphore(%arg17 : memref<!tpu.dma_semaphore, #tpu.memory_space<semaphore_mem>>)
    %dma_wait3A_268 = tpu.memref_slice %arg9[%multiple_of3A_181] : memref<786432xf32, #tpu.memory_space<vmem_shared>> -> memref<16384xf32, #tpu.memory_space<vmem_shared>>
    %dma_wait3A_269 = tpu.memref_slice %arg2[%multiple_of3A_174] : memref<16777216xf32, #tpu.memory_space<hbm>> -> memref<16384xf32, #tpu.memory_space<hbm>>
    tpu.wait_dma2 semaphore(%arg18 : memref<!tpu.dma_semaphore, #tpu.memory_space<semaphore_mem>>) src(%dma_wait3A_269 : memref<16384xf32, #tpu.memory_space<hbm>>) dst(%dma_wait3A_268 : memref<16384xf32, #tpu.memory_space<vmem_shared>>)
    %add3A_270 = arith.constant 180224 : i32
    %add3A_271 = arith.addi %mul3A_2, %add3A_270 : i32
    %multiple_of3A_272 = tpu.assume_multiple %add3A_271, 16384 : i32
    %mul3A_273 = arith.constant 3 : i32
    %mul3A_274 = arith.muli %arg1, %mul3A_273 : i32
    %add3A_275 = arith.constant 2 : i32
    %add3A_276 = arith.addi %mul3A_274, %add3A_275 : i32
    %mul3A_277 = arith.constant 16384 : i32
    %mul3A_278 = arith.muli %add3A_276, %mul3A_277 : i32
    %multiple_of3A_279 = tpu.assume_multiple %mul3A_278, 16384 : i32
    %dma_start3A_280 = tpu.memref_slice %arg5[%multiple_of3A_272] : memref<16777216xf32, #tpu.memory_space<hbm>> -> memref<16384xf32, #tpu.memory_space<hbm>>
    %dma_start3A_281 = tpu.memref_slice %arg9[%multiple_of3A_279] : memref<786432xf32, #tpu.memory_space<vmem_shared>> -> memref<16384xf32, #tpu.memory_space<vmem_shared>>
    tpu.enqueue_dma source(%dma_start3A_281 : memref<16384xf32, #tpu.memory_space<vmem_shared>>) target(%dma_start3A_280 : memref<16384xf32, #tpu.memory_space<hbm>>) target_semaphore(%arg21 : memref<!tpu.dma_semaphore, #tpu.memory_space<semaphore_mem>>)
    %dma_wait3A_282 = tpu.memref_slice %arg5[%multiple_of3A_251] : memref<16777216xf32, #tpu.memory_space<hbm>> -> memref<16384xf32, #tpu.memory_space<hbm>>
    %dma_wait3A_283 = tpu.memref_slice %arg5[%multiple_of3A_251] : memref<16777216xf32, #tpu.memory_space<hbm>> -> memref<16384xf32, #tpu.memory_space<hbm>>
    tpu.wait_dma2 semaphore(%arg15 : memref<!tpu.dma_semaphore, #tpu.memory_space<semaphore_mem>>) src(%arg8 : memref<16384xf32, #tpu.memory_space<vmem>>) dst(%dma_wait3A_283 : memref<16384xf32, #tpu.memory_space<hbm>>)
    %add3A_284 = arith.constant 262144 : i32
    %add3A_285 = arith.addi %mul3A_2, %add3A_284 : i32
    %multiple_of3A_286 = tpu.assume_multiple %add3A_285, 16384 : i32
    %dma_start3A_287 = tpu.memref_slice %arg2[%multiple_of3A_286] : memref<16777216xf32, #tpu.memory_space<hbm>> -> memref<16384xf32, #tpu.memory_space<hbm>>
    %dma_start3A_288 = tpu.memref_slice %arg2[%multiple_of3A_286] : memref<16777216xf32, #tpu.memory_space<hbm>> -> memref<16384xf32, #tpu.memory_space<hbm>>
    tpu.enqueue_dma source(%dma_start3A_288 : memref<16384xf32, #tpu.memory_space<hbm>>) target(%arg8 : memref<16384xf32, #tpu.memory_space<vmem>>) target_semaphore(%arg12 : memref<!tpu.dma_semaphore, #tpu.memory_space<semaphore_mem>>)
    %dma_wait3A_289 = tpu.memref_slice %arg2[%multiple_of3A_202] : memref<16777216xf32, #tpu.memory_space<hbm>> -> memref<16384xf32, #tpu.memory_space<hbm>>
    %dma_wait3A_290 = tpu.memref_slice %arg2[%multiple_of3A_202] : memref<16777216xf32, #tpu.memory_space<hbm>> -> memref<16384xf32, #tpu.memory_space<hbm>>
    tpu.wait_dma2 semaphore(%arg10 : memref<!tpu.dma_semaphore, #tpu.memory_space<semaphore_mem>>) src(%dma_wait3A_290 : memref<16384xf32, #tpu.memory_space<hbm>>) dst(%arg6 : memref<16384xf32, #tpu.memory_space<vmem>>)
    %add3A_291 = arith.constant 196608 : i32
    %add3A_292 = arith.addi %mul3A_2, %add3A_291 : i32
    %multiple_of3A_293 = tpu.assume_multiple %add3A_292, 16384 : i32
    %dma_start3A_294 = tpu.memref_slice %arg5[%multiple_of3A_293] : memref<16777216xf32, #tpu.memory_space<hbm>> -> memref<16384xf32, #tpu.memory_space<hbm>>
    %dma_start3A_295 = tpu.memref_slice %arg5[%multiple_of3A_293] : memref<16777216xf32, #tpu.memory_space<hbm>> -> memref<16384xf32, #tpu.memory_space<hbm>>
    tpu.enqueue_dma source(%arg6 : memref<16384xf32, #tpu.memory_space<vmem>>) target(%dma_start3A_295 : memref<16384xf32, #tpu.memory_space<hbm>>) target_semaphore(%arg13 : memref<!tpu.dma_semaphore, #tpu.memory_space<semaphore_mem>>)
    %dma_wait3A_296 = tpu.memref_slice %arg5[%multiple_of3A_272] : memref<16777216xf32, #tpu.memory_space<hbm>> -> memref<16384xf32, #tpu.memory_space<hbm>>
    %dma_wait3A_297 = tpu.memref_slice %arg9[%multiple_of3A_279] : memref<786432xf32, #tpu.memory_space<vmem_shared>> -> memref<16384xf32, #tpu.memory_space<vmem_shared>>
    tpu.wait_dma2 semaphore(%arg21 : memref<!tpu.dma_semaphore, #tpu.memory_space<semaphore_mem>>) src(%dma_wait3A_297 : memref<16384xf32, #tpu.memory_space<vmem_shared>>) dst(%dma_wait3A_296 : memref<16384xf32, #tpu.memory_space<hbm>>)
    %add3A_298 = arith.constant 278528 : i32
    %add3A_299 = arith.addi %mul3A_2, %add3A_298 : i32
    %multiple_of3A_300 = tpu.assume_multiple %add3A_299, 16384 : i32
    %mul3A_301 = arith.constant 3 : i32
    %mul3A_302 = arith.muli %arg1, %mul3A_301 : i32
    %add3A_303 = arith.constant 2 : i32
    %add3A_304 = arith.addi %mul3A_302, %add3A_303 : i32
    %mul3A_305 = arith.constant 16384 : i32
    %mul3A_306 = arith.muli %add3A_304, %mul3A_305 : i32
    %multiple_of3A_307 = tpu.assume_multiple %mul3A_306, 16384 : i32
    %dma_start3A_308 = tpu.memref_slice %arg9[%multiple_of3A_307] : memref<786432xf32, #tpu.memory_space<vmem_shared>> -> memref<16384xf32, #tpu.memory_space<vmem_shared>>
    %dma_start3A_309 = tpu.memref_slice %arg2[%multiple_of3A_300] : memref<16777216xf32, #tpu.memory_space<hbm>> -> memref<16384xf32, #tpu.memory_space<hbm>>
    tpu.enqueue_dma source(%dma_start3A_309 : memref<16384xf32, #tpu.memory_space<hbm>>) target(%dma_start3A_308 : memref<16384xf32, #tpu.memory_space<vmem_shared>>) target_semaphore(%arg18 : memref<!tpu.dma_semaphore, #tpu.memory_space<semaphore_mem>>)
    %dma_wait3A_310 = tpu.memref_slice %arg9[%multiple_of3A_223] : memref<786432xf32, #tpu.memory_space<vmem_shared>> -> memref<16384xf32, #tpu.memory_space<vmem_shared>>
    %dma_wait3A_311 = tpu.memref_slice %arg2[%multiple_of3A_216] : memref<16777216xf32, #tpu.memory_space<hbm>> -> memref<16384xf32, #tpu.memory_space<hbm>>
    tpu.wait_dma2 semaphore(%arg16 : memref<!tpu.dma_semaphore, #tpu.memory_space<semaphore_mem>>) src(%dma_wait3A_311 : memref<16384xf32, #tpu.memory_space<hbm>>) dst(%dma_wait3A_310 : memref<16384xf32, #tpu.memory_space<vmem_shared>>)
    %add3A_312 = arith.constant 212992 : i32
    %add3A_313 = arith.addi %mul3A_2, %add3A_312 : i32
    %multiple_of3A_314 = tpu.assume_multiple %add3A_313, 16384 : i32
    %mul3A_315 = arith.constant 3 : i32
    %mul3A_316 = arith.muli %arg1, %mul3A_315 : i32
    %add3A_317 = arith.constant 0 : i32
    %add3A_318 = arith.addi %mul3A_316, %add3A_317 : i32
    %mul3A_319 = arith.constant 16384 : i32
    %mul3A_320 = arith.muli %add3A_318, %mul3A_319 : i32
    %multiple_of3A_321 = tpu.assume_multiple %mul3A_320, 16384 : i32
    %dma_start3A_322 = tpu.memref_slice %arg5[%multiple_of3A_314] : memref<16777216xf32, #tpu.memory_space<hbm>> -> memref<16384xf32, #tpu.memory_space<hbm>>
    %dma_start3A_323 = tpu.memref_slice %arg9[%multiple_of3A_321] : memref<786432xf32, #tpu.memory_space<vmem_shared>> -> memref<16384xf32, #tpu.memory_space<vmem_shared>>
    tpu.enqueue_dma source(%dma_start3A_323 : memref<16384xf32, #tpu.memory_space<vmem_shared>>) target(%dma_start3A_322 : memref<16384xf32, #tpu.memory_space<hbm>>) target_semaphore(%arg19 : memref<!tpu.dma_semaphore, #tpu.memory_space<semaphore_mem>>)
    %dma_wait3A_324 = tpu.memref_slice %arg5[%multiple_of3A_293] : memref<16777216xf32, #tpu.memory_space<hbm>> -> memref<16384xf32, #tpu.memory_space<hbm>>
    %dma_wait3A_325 = tpu.memref_slice %arg5[%multiple_of3A_293] : memref<16777216xf32, #tpu.memory_space<hbm>> -> memref<16384xf32, #tpu.memory_space<hbm>>
    tpu.wait_dma2 semaphore(%arg13 : memref<!tpu.dma_semaphore, #tpu.memory_space<semaphore_mem>>) src(%arg6 : memref<16384xf32, #tpu.memory_space<vmem>>) dst(%dma_wait3A_325 : memref<16384xf32, #tpu.memory_space<hbm>>)
    %add3A_326 = arith.constant 294912 : i32
    %add3A_327 = arith.addi %mul3A_2, %add3A_326 : i32
    %multiple_of3A_328 = tpu.assume_multiple %add3A_327, 16384 : i32
    %dma_start3A_329 = tpu.memref_slice %arg2[%multiple_of3A_328] : memref<16777216xf32, #tpu.memory_space<hbm>> -> memref<16384xf32, #tpu.memory_space<hbm>>
    %dma_start3A_330 = tpu.memref_slice %arg2[%multiple_of3A_328] : memref<16777216xf32, #tpu.memory_space<hbm>> -> memref<16384xf32, #tpu.memory_space<hbm>>
    tpu.enqueue_dma source(%dma_start3A_330 : memref<16384xf32, #tpu.memory_space<hbm>>) target(%arg6 : memref<16384xf32, #tpu.memory_space<vmem>>) target_semaphore(%arg10 : memref<!tpu.dma_semaphore, #tpu.memory_space<semaphore_mem>>)
    %dma_wait3A_331 = tpu.memref_slice %arg2[%multiple_of3A_244] : memref<16777216xf32, #tpu.memory_space<hbm>> -> memref<16384xf32, #tpu.memory_space<hbm>>
    %dma_wait3A_332 = tpu.memref_slice %arg2[%multiple_of3A_244] : memref<16777216xf32, #tpu.memory_space<hbm>> -> memref<16384xf32, #tpu.memory_space<hbm>>
    tpu.wait_dma2 semaphore(%arg11 : memref<!tpu.dma_semaphore, #tpu.memory_space<semaphore_mem>>) src(%dma_wait3A_332 : memref<16384xf32, #tpu.memory_space<hbm>>) dst(%arg7 : memref<16384xf32, #tpu.memory_space<vmem>>)
    %add3A_333 = arith.constant 229376 : i32
    %add3A_334 = arith.addi %mul3A_2, %add3A_333 : i32
    %multiple_of3A_335 = tpu.assume_multiple %add3A_334, 16384 : i32
    %dma_start3A_336 = tpu.memref_slice %arg5[%multiple_of3A_335] : memref<16777216xf32, #tpu.memory_space<hbm>> -> memref<16384xf32, #tpu.memory_space<hbm>>
    %dma_start3A_337 = tpu.memref_slice %arg5[%multiple_of3A_335] : memref<16777216xf32, #tpu.memory_space<hbm>> -> memref<16384xf32, #tpu.memory_space<hbm>>
    tpu.enqueue_dma source(%arg7 : memref<16384xf32, #tpu.memory_space<vmem>>) target(%dma_start3A_337 : memref<16384xf32, #tpu.memory_space<hbm>>) target_semaphore(%arg14 : memref<!tpu.dma_semaphore, #tpu.memory_space<semaphore_mem>>)
    %dma_wait3A_338 = tpu.memref_slice %arg5[%multiple_of3A_314] : memref<16777216xf32, #tpu.memory_space<hbm>> -> memref<16384xf32, #tpu.memory_space<hbm>>
    %dma_wait3A_339 = tpu.memref_slice %arg9[%multiple_of3A_321] : memref<786432xf32, #tpu.memory_space<vmem_shared>> -> memref<16384xf32, #tpu.memory_space<vmem_shared>>
    tpu.wait_dma2 semaphore(%arg19 : memref<!tpu.dma_semaphore, #tpu.memory_space<semaphore_mem>>) src(%dma_wait3A_339 : memref<16384xf32, #tpu.memory_space<vmem_shared>>) dst(%dma_wait3A_338 : memref<16384xf32, #tpu.memory_space<hbm>>)
    %add3A_340 = arith.constant 311296 : i32
    %add3A_341 = arith.addi %mul3A_2, %add3A_340 : i32
    %multiple_of3A_342 = tpu.assume_multiple %add3A_341, 16384 : i32
    %mul3A_343 = arith.constant 3 : i32
    %mul3A_344 = arith.muli %arg1, %mul3A_343 : i32
    %add3A_345 = arith.constant 0 : i32
    %add3A_346 = arith.addi %mul3A_344, %add3A_345 : i32
    %mul3A_347 = arith.constant 16384 : i32
    %mul3A_348 = arith.muli %add3A_346, %mul3A_347 : i32
    %multiple_of3A_349 = tpu.assume_multiple %mul3A_348, 16384 : i32
    %dma_start3A_350 = tpu.memref_slice %arg9[%multiple_of3A_349] : memref<786432xf32, #tpu.memory_space<vmem_shared>> -> memref<16384xf32, #tpu.memory_space<vmem_shared>>
    %dma_start3A_351 = tpu.memref_slice %arg2[%multiple_of3A_342] : memref<16777216xf32, #tpu.memory_space<hbm>> -> memref<16384xf32, #tpu.memory_space<hbm>>
    tpu.enqueue_dma source(%dma_start3A_351 : memref<16384xf32, #tpu.memory_space<hbm>>) target(%dma_start3A_350 : memref<16384xf32, #tpu.memory_space<vmem_shared>>) target_semaphore(%arg16 : memref<!tpu.dma_semaphore, #tpu.memory_space<semaphore_mem>>)
    %dma_wait3A_352 = tpu.memref_slice %arg9[%multiple_of3A_265] : memref<786432xf32, #tpu.memory_space<vmem_shared>> -> memref<16384xf32, #tpu.memory_space<vmem_shared>>
    %dma_wait3A_353 = tpu.memref_slice %arg2[%multiple_of3A_258] : memref<16777216xf32, #tpu.memory_space<hbm>> -> memref<16384xf32, #tpu.memory_space<hbm>>
    tpu.wait_dma2 semaphore(%arg17 : memref<!tpu.dma_semaphore, #tpu.memory_space<semaphore_mem>>) src(%dma_wait3A_353 : memref<16384xf32, #tpu.memory_space<hbm>>) dst(%dma_wait3A_352 : memref<16384xf32, #tpu.memory_space<vmem_shared>>)
    %add3A_354 = arith.constant 245760 : i32
    %add3A_355 = arith.addi %mul3A_2, %add3A_354 : i32
    %multiple_of3A_356 = tpu.assume_multiple %add3A_355, 16384 : i32
    %mul3A_357 = arith.constant 3 : i32
    %mul3A_358 = arith.muli %arg1, %mul3A_357 : i32
    %add3A_359 = arith.constant 1 : i32
    %add3A_360 = arith.addi %mul3A_358, %add3A_359 : i32
    %mul3A_361 = arith.constant 16384 : i32
    %mul3A_362 = arith.muli %add3A_360, %mul3A_361 : i32
    %multiple_of3A_363 = tpu.assume_multiple %mul3A_362, 16384 : i32
    %dma_start3A_364 = tpu.memref_slice %arg5[%multiple_of3A_356] : memref<16777216xf32, #tpu.memory_space<hbm>> -> memref<16384xf32, #tpu.memory_space<hbm>>
    %dma_start3A_365 = tpu.memref_slice %arg9[%multiple_of3A_363] : memref<786432xf32, #tpu.memory_space<vmem_shared>> -> memref<16384xf32, #tpu.memory_space<vmem_shared>>
    tpu.enqueue_dma source(%dma_start3A_365 : memref<16384xf32, #tpu.memory_space<vmem_shared>>) target(%dma_start3A_364 : memref<16384xf32, #tpu.memory_space<hbm>>) target_semaphore(%arg20 : memref<!tpu.dma_semaphore, #tpu.memory_space<semaphore_mem>>)
    %dma_wait3A_366 = tpu.memref_slice %arg5[%multiple_of3A_335] : memref<16777216xf32, #tpu.memory_space<hbm>> -> memref<16384xf32, #tpu.memory_space<hbm>>
    %dma_wait3A_367 = tpu.memref_slice %arg5[%multiple_of3A_335] : memref<16777216xf32, #tpu.memory_space<hbm>> -> memref<16384xf32, #tpu.memory_space<hbm>>
    tpu.wait_dma2 semaphore(%arg14 : memref<!tpu.dma_semaphore, #tpu.memory_space<semaphore_mem>>) src(%arg7 : memref<16384xf32, #tpu.memory_space<vmem>>) dst(%dma_wait3A_367 : memref<16384xf32, #tpu.memory_space<hbm>>)
    %add3A_368 = arith.constant 327680 : i32
    %add3A_369 = arith.addi %mul3A_2, %add3A_368 : i32
    %multiple_of3A_370 = tpu.assume_multiple %add3A_369, 16384 : i32
    %dma_start3A_371 = tpu.memref_slice %arg2[%multiple_of3A_370] : memref<16777216xf32, #tpu.memory_space<hbm>> -> memref<16384xf32, #tpu.memory_space<hbm>>
    %dma_start3A_372 = tpu.memref_slice %arg2[%multiple_of3A_370] : memref<16777216xf32, #tpu.memory_space<hbm>> -> memref<16384xf32, #tpu.memory_space<hbm>>
    tpu.enqueue_dma source(%dma_start3A_372 : memref<16384xf32, #tpu.memory_space<hbm>>) target(%arg7 : memref<16384xf32, #tpu.memory_space<vmem>>) target_semaphore(%arg11 : memref<!tpu.dma_semaphore, #tpu.memory_space<semaphore_mem>>)
    %dma_wait3A_373 = tpu.memref_slice %arg2[%multiple_of3A_286] : memref<16777216xf32, #tpu.memory_space<hbm>> -> memref<16384xf32, #tpu.memory_space<hbm>>
    %dma_wait3A_374 = tpu.memref_slice %arg2[%multiple_of3A_286] : memref<16777216xf32, #tpu.memory_space<hbm>> -> memref<16384xf32, #tpu.memory_space<hbm>>
    tpu.wait_dma2 semaphore(%arg12 : memref<!tpu.dma_semaphore, #tpu.memory_space<semaphore_mem>>) src(%dma_wait3A_374 : memref<16384xf32, #tpu.memory_space<hbm>>) dst(%arg8 : memref<16384xf32, #tpu.memory_space<vmem>>)
    %add3A_375 = arith.constant 262144 : i32
    %add3A_376 = arith.addi %mul3A_2, %add3A_375 : i32
    %multiple_of3A_377 = tpu.assume_multiple %add3A_376, 16384 : i32
    %dma_start3A_378 = tpu.memref_slice %arg5[%multiple_of3A_377] : memref<16777216xf32, #tpu.memory_space<hbm>> -> memref<16384xf32, #tpu.memory_space<hbm>>
    %dma_start3A_379 = tpu.memref_slice %arg5[%multiple_of3A_377] : memref<16777216xf32, #tpu.memory_space<hbm>> -> memref<16384xf32, #tpu.memory_space<hbm>>
    tpu.enqueue_dma source(%arg8 : memref<16384xf32, #tpu.memory_space<vmem>>) target(%dma_start3A_379 : memref<16384xf32, #tpu.memory_space<hbm>>) target_semaphore(%arg15 : memref<!tpu.dma_semaphore, #tpu.memory_space<semaphore_mem>>)
    %dma_wait3A_380 = tpu.memref_slice %arg5[%multiple_of3A_356] : memref<16777216xf32, #tpu.memory_space<hbm>> -> memref<16384xf32, #tpu.memory_space<hbm>>
    %dma_wait3A_381 = tpu.memref_slice %arg9[%multiple_of3A_363] : memref<786432xf32, #tpu.memory_space<vmem_shared>> -> memref<16384xf32, #tpu.memory_space<vmem_shared>>
    tpu.wait_dma2 semaphore(%arg20 : memref<!tpu.dma_semaphore, #tpu.memory_space<semaphore_mem>>) src(%dma_wait3A_381 : memref<16384xf32, #tpu.memory_space<vmem_shared>>) dst(%dma_wait3A_380 : memref<16384xf32, #tpu.memory_space<hbm>>)
    %add3A_382 = arith.constant 344064 : i32
    %add3A_383 = arith.addi %mul3A_2, %add3A_382 : i32
    %multiple_of3A_384 = tpu.assume_multiple %add3A_383, 16384 : i32
    %mul3A_385 = arith.constant 3 : i32
    %mul3A_386 = arith.muli %arg1, %mul3A_385 : i32
    %add3A_387 = arith.constant 1 : i32
    %add3A_388 = arith.addi %mul3A_386, %add3A_387 : i32
    %mul3A_389 = arith.constant 16384 : i32
    %mul3A_390 = arith.muli %add3A_388, %mul3A_389 : i32
    %multiple_of3A_391 = tpu.assume_multiple %mul3A_390, 16384 : i32
    %dma_start3A_392 = tpu.memref_slice %arg9[%multiple_of3A_391] : memref<786432xf32, #tpu.memory_space<vmem_shared>> -> memref<16384xf32, #tpu.memory_space<vmem_shared>>
    %dma_start3A_393 = tpu.memref_slice %arg2[%multiple_of3A_384] : memref<16777216xf32, #tpu.memory_space<hbm>> -> memref<16384xf32, #tpu.memory_space<hbm>>
    tpu.enqueue_dma source(%dma_start3A_393 : memref<16384xf32, #tpu.memory_space<hbm>>) target(%dma_start3A_392 : memref<16384xf32, #tpu.memory_space<vmem_shared>>) target_semaphore(%arg17 : memref<!tpu.dma_semaphore, #tpu.memory_space<semaphore_mem>>)
    %dma_wait3A_394 = tpu.memref_slice %arg9[%multiple_of3A_307] : memref<786432xf32, #tpu.memory_space<vmem_shared>> -> memref<16384xf32, #tpu.memory_space<vmem_shared>>
    %dma_wait3A_395 = tpu.memref_slice %arg2[%multiple_of3A_300] : memref<16777216xf32, #tpu.memory_space<hbm>> -> memref<16384xf32, #tpu.memory_space<hbm>>
    tpu.wait_dma2 semaphore(%arg18 : memref<!tpu.dma_semaphore, #tpu.memory_space<semaphore_mem>>) src(%dma_wait3A_395 : memref<16384xf32, #tpu.memory_space<hbm>>) dst(%dma_wait3A_394 : memref<16384xf32, #tpu.memory_space<vmem_shared>>)
    %add3A_396 = arith.constant 278528 : i32
    %add3A_397 = arith.addi %mul3A_2, %add3A_396 : i32
    %multiple_of3A_398 = tpu.assume_multiple %add3A_397, 16384 : i32
    %mul3A_399 = arith.constant 3 : i32
    %mul3A_400 = arith.muli %arg1, %mul3A_399 : i32
    %add3A_401 = arith.constant 2 : i32
    %add3A_402 = arith.addi %mul3A_400, %add3A_401 : i32
    %mul3A_403 = arith.constant 16384 : i32
    %mul3A_404 = arith.muli %add3A_402, %mul3A_403 : i32
    %multiple_of3A_405 = tpu.assume_multiple %mul3A_404, 16384 : i32
    %dma_start3A_406 = tpu.memref_slice %arg5[%multiple_of3A_398] : memref<16777216xf32, #tpu.memory_space<hbm>> -> memref<16384xf32, #tpu.memory_space<hbm>>
    %dma_start3A_407 = tpu.memref_slice %arg9[%multiple_of3A_405] : memref<786432xf32, #tpu.memory_space<vmem_shared>> -> memref<16384xf32, #tpu.memory_space<vmem_shared>>
    tpu.enqueue_dma source(%dma_start3A_407 : memref<16384xf32, #tpu.memory_space<vmem_shared>>) target(%dma_start3A_406 : memref<16384xf32, #tpu.memory_space<hbm>>) target_semaphore(%arg21 : memref<!tpu.dma_semaphore, #tpu.memory_space<semaphore_mem>>)
    %dma_wait3A_408 = tpu.memref_slice %arg5[%multiple_of3A_377] : memref<16777216xf32, #tpu.memory_space<hbm>> -> memref<16384xf32, #tpu.memory_space<hbm>>
    %dma_wait3A_409 = tpu.memref_slice %arg5[%multiple_of3A_377] : memref<16777216xf32, #tpu.memory_space<hbm>> -> memref<16384xf32, #tpu.memory_space<hbm>>
    tpu.wait_dma2 semaphore(%arg15 : memref<!tpu.dma_semaphore, #tpu.memory_space<semaphore_mem>>) src(%arg8 : memref<16384xf32, #tpu.memory_space<vmem>>) dst(%dma_wait3A_409 : memref<16384xf32, #tpu.memory_space<hbm>>)
    %add3A_410 = arith.constant 360448 : i32
    %add3A_411 = arith.addi %mul3A_2, %add3A_410 : i32
    %multiple_of3A_412 = tpu.assume_multiple %add3A_411, 16384 : i32
    %dma_start3A_413 = tpu.memref_slice %arg2[%multiple_of3A_412] : memref<16777216xf32, #tpu.memory_space<hbm>> -> memref<16384xf32, #tpu.memory_space<hbm>>
    %dma_start3A_414 = tpu.memref_slice %arg2[%multiple_of3A_412] : memref<16777216xf32, #tpu.memory_space<hbm>> -> memref<16384xf32, #tpu.memory_space<hbm>>
    tpu.enqueue_dma source(%dma_start3A_414 : memref<16384xf32, #tpu.memory_space<hbm>>) target(%arg8 : memref<16384xf32, #tpu.memory_space<vmem>>) target_semaphore(%arg12 : memref<!tpu.dma_semaphore, #tpu.memory_space<semaphore_mem>>)
    %dma_wait3A_415 = tpu.memref_slice %arg2[%multiple_of3A_328] : memref<16777216xf32, #tpu.memory_space<hbm>> -> memref<16384xf32, #tpu.memory_space<hbm>>
    %dma_wait3A_416 = tpu.memref_slice %arg2[%multiple_of3A_328] : memref<16777216xf32, #tpu.memory_space<hbm>> -> memref<16384xf32, #tpu.memory_space<hbm>>
    tpu.wait_dma2 semaphore(%arg10 : memref<!tpu.dma_semaphore, #tpu.memory_space<semaphore_mem>>) src(%dma_wait3A_416 : memref<16384xf32, #tpu.memory_space<hbm>>) dst(%arg6 : memref<16384xf32, #tpu.memory_space<vmem>>)
    %add3A_417 = arith.constant 294912 : i32
    %add3A_418 = arith.addi %mul3A_2, %add3A_417 : i32
    %multiple_of3A_419 = tpu.assume_multiple %add3A_418, 16384 : i32
    %dma_start3A_420 = tpu.memref_slice %arg5[%multiple_of3A_419] : memref<16777216xf32, #tpu.memory_space<hbm>> -> memref<16384xf32, #tpu.memory_space<hbm>>
    %dma_start3A_421 = tpu.memref_slice %arg5[%multiple_of3A_419] : memref<16777216xf32, #tpu.memory_space<hbm>> -> memref<16384xf32, #tpu.memory_space<hbm>>
    tpu.enqueue_dma source(%arg6 : memref<16384xf32, #tpu.memory_space<vmem>>) target(%dma_start3A_421 : memref<16384xf32, #tpu.memory_space<hbm>>) target_semaphore(%arg13 : memref<!tpu.dma_semaphore, #tpu.memory_space<semaphore_mem>>)
    %dma_wait3A_422 = tpu.memref_slice %arg5[%multiple_of3A_398] : memref<16777216xf32, #tpu.memory_space<hbm>> -> memref<16384xf32, #tpu.memory_space<hbm>>
    %dma_wait3A_423 = tpu.memref_slice %arg9[%multiple_of3A_405] : memref<786432xf32, #tpu.memory_space<vmem_shared>> -> memref<16384xf32, #tpu.memory_space<vmem_shared>>
    tpu.wait_dma2 semaphore(%arg21 : memref<!tpu.dma_semaphore, #tpu.memory_space<semaphore_mem>>) src(%dma_wait3A_423 : memref<16384xf32, #tpu.memory_space<vmem_shared>>) dst(%dma_wait3A_422 : memref<16384xf32, #tpu.memory_space<hbm>>)
    %add3A_424 = arith.constant 376832 : i32
    %add3A_425 = arith.addi %mul3A_2, %add3A_424 : i32
    %multiple_of3A_426 = tpu.assume_multiple %add3A_425, 16384 : i32
    %mul3A_427 = arith.constant 3 : i32
    %mul3A_428 = arith.muli %arg1, %mul3A_427 : i32
    %add3A_429 = arith.constant 2 : i32
    %add3A_430 = arith.addi %mul3A_428, %add3A_429 : i32
    %mul3A_431 = arith.constant 16384 : i32
    %mul3A_432 = arith.muli %add3A_430, %mul3A_431 : i32
    %multiple_of3A_433 = tpu.assume_multiple %mul3A_432, 16384 : i32
    %dma_start3A_434 = tpu.memref_slice %arg9[%multiple_of3A_433] : memref<786432xf32, #tpu.memory_space<vmem_shared>> -> memref<16384xf32, #tpu.memory_space<vmem_shared>>
    %dma_start3A_435 = tpu.memref_slice %arg2[%multiple_of3A_426] : memref<16777216xf32, #tpu.memory_space<hbm>> -> memref<16384xf32, #tpu.memory_space<hbm>>
    tpu.enqueue_dma source(%dma_start3A_435 : memref<16384xf32, #tpu.memory_space<hbm>>) target(%dma_start3A_434 : memref<16384xf32, #tpu.memory_space<vmem_shared>>) target_semaphore(%arg18 : memref<!tpu.dma_semaphore, #tpu.memory_space<semaphore_mem>>)
    %dma_wait3A_436 = tpu.memref_slice %arg9[%multiple_of3A_349] : memref<786432xf32, #tpu.memory_space<vmem_shared>> -> memref<16384xf32, #tpu.memory_space<vmem_shared>>
    %dma_wait3A_437 = tpu.memref_slice %arg2[%multiple_of3A_342] : memref<16777216xf32, #tpu.memory_space<hbm>> -> memref<16384xf32, #tpu.memory_space<hbm>>
    tpu.wait_dma2 semaphore(%arg16 : memref<!tpu.dma_semaphore, #tpu.memory_space<semaphore_mem>>) src(%dma_wait3A_437 : memref<16384xf32, #tpu.memory_space<hbm>>) dst(%dma_wait3A_436 : memref<16384xf32, #tpu.memory_space<vmem_shared>>)
    %add3A_438 = arith.constant 311296 : i32
    %add3A_439 = arith.addi %mul3A_2, %add3A_438 : i32
    %multiple_of3A_440 = tpu.assume_multiple %add3A_439, 16384 : i32
    %mul3A_441 = arith.constant 3 : i32
    %mul3A_442 = arith.muli %arg1, %mul3A_441 : i32
    %add3A_443 = arith.constant 0 : i32
    %add3A_444 = arith.addi %mul3A_442, %add3A_443 : i32
    %mul3A_445 = arith.constant 16384 : i32
    %mul3A_446 = arith.muli %add3A_444, %mul3A_445 : i32
    %multiple_of3A_447 = tpu.assume_multiple %mul3A_446, 16384 : i32
    %dma_start3A_448 = tpu.memref_slice %arg5[%multiple_of3A_440] : memref<16777216xf32, #tpu.memory_space<hbm>> -> memref<16384xf32, #tpu.memory_space<hbm>>
    %dma_start3A_449 = tpu.memref_slice %arg9[%multiple_of3A_447] : memref<786432xf32, #tpu.memory_space<vmem_shared>> -> memref<16384xf32, #tpu.memory_space<vmem_shared>>
    tpu.enqueue_dma source(%dma_start3A_449 : memref<16384xf32, #tpu.memory_space<vmem_shared>>) target(%dma_start3A_448 : memref<16384xf32, #tpu.memory_space<hbm>>) target_semaphore(%arg19 : memref<!tpu.dma_semaphore, #tpu.memory_space<semaphore_mem>>)
    %dma_wait3A_450 = tpu.memref_slice %arg5[%multiple_of3A_419] : memref<16777216xf32, #tpu.memory_space<hbm>> -> memref<16384xf32, #tpu.memory_space<hbm>>
    %dma_wait3A_451 = tpu.memref_slice %arg5[%multiple_of3A_419] : memref<16777216xf32, #tpu.memory_space<hbm>> -> memref<16384xf32, #tpu.memory_space<hbm>>
    tpu.wait_dma2 semaphore(%arg13 : memref<!tpu.dma_semaphore, #tpu.memory_space<semaphore_mem>>) src(%arg6 : memref<16384xf32, #tpu.memory_space<vmem>>) dst(%dma_wait3A_451 : memref<16384xf32, #tpu.memory_space<hbm>>)
    %add3A_452 = arith.constant 393216 : i32
    %add3A_453 = arith.addi %mul3A_2, %add3A_452 : i32
    %multiple_of3A_454 = tpu.assume_multiple %add3A_453, 16384 : i32
    %dma_start3A_455 = tpu.memref_slice %arg2[%multiple_of3A_454] : memref<16777216xf32, #tpu.memory_space<hbm>> -> memref<16384xf32, #tpu.memory_space<hbm>>
    %dma_start3A_456 = tpu.memref_slice %arg2[%multiple_of3A_454] : memref<16777216xf32, #tpu.memory_space<hbm>> -> memref<16384xf32, #tpu.memory_space<hbm>>
    tpu.enqueue_dma source(%dma_start3A_456 : memref<16384xf32, #tpu.memory_space<hbm>>) target(%arg6 : memref<16384xf32, #tpu.memory_space<vmem>>) target_semaphore(%arg10 : memref<!tpu.dma_semaphore, #tpu.memory_space<semaphore_mem>>)
    %dma_wait3A_457 = tpu.memref_slice %arg2[%multiple_of3A_370] : memref<16777216xf32, #tpu.memory_space<hbm>> -> memref<16384xf32, #tpu.memory_space<hbm>>
    %dma_wait3A_458 = tpu.memref_slice %arg2[%multiple_of3A_370] : memref<16777216xf32, #tpu.memory_space<hbm>> -> memref<16384xf32, #tpu.memory_space<hbm>>
    tpu.wait_dma2 semaphore(%arg11 : memref<!tpu.dma_semaphore, #tpu.memory_space<semaphore_mem>>) src(%dma_wait3A_458 : memref<16384xf32, #tpu.memory_space<hbm>>) dst(%arg7 : memref<16384xf32, #tpu.memory_space<vmem>>)
    %add3A_459 = arith.constant 327680 : i32
    %add3A_460 = arith.addi %mul3A_2, %add3A_459 : i32
    %multiple_of3A_461 = tpu.assume_multiple %add3A_460, 16384 : i32
    %dma_start3A_462 = tpu.memref_slice %arg5[%multiple_of3A_461] : memref<16777216xf32, #tpu.memory_space<hbm>> -> memref<16384xf32, #tpu.memory_space<hbm>>
    %dma_start3A_463 = tpu.memref_slice %arg5[%multiple_of3A_461] : memref<16777216xf32, #tpu.memory_space<hbm>> -> memref<16384xf32, #tpu.memory_space<hbm>>
    tpu.enqueue_dma source(%arg7 : memref<16384xf32, #tpu.memory_space<vmem>>) target(%dma_start3A_463 : memref<16384xf32, #tpu.memory_space<hbm>>) target_semaphore(%arg14 : memref<!tpu.dma_semaphore, #tpu.memory_space<semaphore_mem>>)
    %dma_wait3A_464 = tpu.memref_slice %arg5[%multiple_of3A_440] : memref<16777216xf32, #tpu.memory_space<hbm>> -> memref<16384xf32, #tpu.memory_space<hbm>>
    %dma_wait3A_465 = tpu.memref_slice %arg9[%multiple_of3A_447] : memref<786432xf32, #tpu.memory_space<vmem_shared>> -> memref<16384xf32, #tpu.memory_space<vmem_shared>>
    tpu.wait_dma2 semaphore(%arg19 : memref<!tpu.dma_semaphore, #tpu.memory_space<semaphore_mem>>) src(%dma_wait3A_465 : memref<16384xf32, #tpu.memory_space<vmem_shared>>) dst(%dma_wait3A_464 : memref<16384xf32, #tpu.memory_space<hbm>>)
    %add3A_466 = arith.constant 409600 : i32
    %add3A_467 = arith.addi %mul3A_2, %add3A_466 : i32
    %multiple_of3A_468 = tpu.assume_multiple %add3A_467, 16384 : i32
    %mul3A_469 = arith.constant 3 : i32
    %mul3A_470 = arith.muli %arg1, %mul3A_469 : i32
    %add3A_471 = arith.constant 0 : i32
    %add3A_472 = arith.addi %mul3A_470, %add3A_471 : i32
    %mul3A_473 = arith.constant 16384 : i32
    %mul3A_474 = arith.muli %add3A_472, %mul3A_473 : i32
    %multiple_of3A_475 = tpu.assume_multiple %mul3A_474, 16384 : i32
    %dma_start3A_476 = tpu.memref_slice %arg9[%multiple_of3A_475] : memref<786432xf32, #tpu.memory_space<vmem_shared>> -> memref<16384xf32, #tpu.memory_space<vmem_shared>>
    %dma_start3A_477 = tpu.memref_slice %arg2[%multiple_of3A_468] : memref<16777216xf32, #tpu.memory_space<hbm>> -> memref<16384xf32, #tpu.memory_space<hbm>>
    tpu.enqueue_dma source(%dma_start3A_477 : memref<16384xf32, #tpu.memory_space<hbm>>) target(%dma_start3A_476 : memref<16384xf32, #tpu.memory_space<vmem_shared>>) target_semaphore(%arg16 : memref<!tpu.dma_semaphore, #tpu.memory_space<semaphore_mem>>)
    %dma_wait3A_478 = tpu.memref_slice %arg9[%multiple_of3A_391] : memref<786432xf32, #tpu.memory_space<vmem_shared>> -> memref<16384xf32, #tpu.memory_space<vmem_shared>>
    %dma_wait3A_479 = tpu.memref_slice %arg2[%multiple_of3A_384] : memref<16777216xf32, #tpu.memory_space<hbm>> -> memref<16384xf32, #tpu.memory_space<hbm>>
    tpu.wait_dma2 semaphore(%arg17 : memref<!tpu.dma_semaphore, #tpu.memory_space<semaphore_mem>>) src(%dma_wait3A_479 : memref<16384xf32, #tpu.memory_space<hbm>>) dst(%dma_wait3A_478 : memref<16384xf32, #tpu.memory_space<vmem_shared>>)
    %add3A_480 = arith.constant 344064 : i32
    %add3A_481 = arith.addi %mul3A_2, %add3A_480 : i32
    %multiple_of3A_482 = tpu.assume_multiple %add3A_481, 16384 : i32
    %mul3A_483 = arith.constant 3 : i32
    %mul3A_484 = arith.muli %arg1, %mul3A_483 : i32
    %add3A_485 = arith.constant 1 : i32
    %add3A_486 = arith.addi %mul3A_484, %add3A_485 : i32
    %mul3A_487 = arith.constant 16384 : i32
    %mul3A_488 = arith.muli %add3A_486, %mul3A_487 : i32
    %multiple_of3A_489 = tpu.assume_multiple %mul3A_488, 16384 : i32
    %dma_start3A_490 = tpu.memref_slice %arg5[%multiple_of3A_482] : memref<16777216xf32, #tpu.memory_space<hbm>> -> memref<16384xf32, #tpu.memory_space<hbm>>
    %dma_start3A_491 = tpu.memref_slice %arg9[%multiple_of3A_489] : memref<786432xf32, #tpu.memory_space<vmem_shared>> -> memref<16384xf32, #tpu.memory_space<vmem_shared>>
    tpu.enqueue_dma source(%dma_start3A_491 : memref<16384xf32, #tpu.memory_space<vmem_shared>>) target(%dma_start3A_490 : memref<16384xf32, #tpu.memory_space<hbm>>) target_semaphore(%arg20 : memref<!tpu.dma_semaphore, #tpu.memory_space<semaphore_mem>>)
    %dma_wait3A_492 = tpu.memref_slice %arg5[%multiple_of3A_461] : memref<16777216xf32, #tpu.memory_space<hbm>> -> memref<16384xf32, #tpu.memory_space<hbm>>
    %dma_wait3A_493 = tpu.memref_slice %arg5[%multiple_of3A_461] : memref<16777216xf32, #tpu.memory_space<hbm>> -> memref<16384xf32, #tpu.memory_space<hbm>>
    tpu.wait_dma2 semaphore(%arg14 : memref<!tpu.dma_semaphore, #tpu.memory_space<semaphore_mem>>) src(%arg7 : memref<16384xf32, #tpu.memory_space<vmem>>) dst(%dma_wait3A_493 : memref<16384xf32, #tpu.memory_space<hbm>>)
    %add3A_494 = arith.constant 425984 : i32
    %add3A_495 = arith.addi %mul3A_2, %add3A_494 : i32
    %multiple_of3A_496 = tpu.assume_multiple %add3A_495, 16384 : i32
    %dma_start3A_497 = tpu.memref_slice %arg2[%multiple_of3A_496] : memref<16777216xf32, #tpu.memory_space<hbm>> -> memref<16384xf32, #tpu.memory_space<hbm>>
    %dma_start3A_498 = tpu.memref_slice %arg2[%multiple_of3A_496] : memref<16777216xf32, #tpu.memory_space<hbm>> -> memref<16384xf32, #tpu.memory_space<hbm>>
    tpu.enqueue_dma source(%dma_start3A_498 : memref<16384xf32, #tpu.memory_space<hbm>>) target(%arg7 : memref<16384xf32, #tpu.memory_space<vmem>>) target_semaphore(%arg11 : memref<!tpu.dma_semaphore, #tpu.memory_space<semaphore_mem>>)
    %dma_wait3A_499 = tpu.memref_slice %arg2[%multiple_of3A_412] : memref<16777216xf32, #tpu.memory_space<hbm>> -> memref<16384xf32, #tpu.memory_space<hbm>>
    %dma_wait3A_500 = tpu.memref_slice %arg2[%multiple_of3A_412] : memref<16777216xf32, #tpu.memory_space<hbm>> -> memref<16384xf32, #tpu.memory_space<hbm>>
    tpu.wait_dma2 semaphore(%arg12 : memref<!tpu.dma_semaphore, #tpu.memory_space<semaphore_mem>>) src(%dma_wait3A_500 : memref<16384xf32, #tpu.memory_space<hbm>>) dst(%arg8 : memref<16384xf32, #tpu.memory_space<vmem>>)
    %add3A_501 = arith.constant 360448 : i32
    %add3A_502 = arith.addi %mul3A_2, %add3A_501 : i32
    %multiple_of3A_503 = tpu.assume_multiple %add3A_502, 16384 : i32
    %dma_start3A_504 = tpu.memref_slice %arg5[%multiple_of3A_503] : memref<16777216xf32, #tpu.memory_space<hbm>> -> memref<16384xf32, #tpu.memory_space<hbm>>
    %dma_start3A_505 = tpu.memref_slice %arg5[%multiple_of3A_503] : memref<16777216xf32, #tpu.memory_space<hbm>> -> memref<16384xf32, #tpu.memory_space<hbm>>
    tpu.enqueue_dma source(%arg8 : memref<16384xf32, #tpu.memory_space<vmem>>) target(%dma_start3A_505 : memref<16384xf32, #tpu.memory_space<hbm>>) target_semaphore(%arg15 : memref<!tpu.dma_semaphore, #tpu.memory_space<semaphore_mem>>)
    %dma_wait3A_506 = tpu.memref_slice %arg5[%multiple_of3A_482] : memref<16777216xf32, #tpu.memory_space<hbm>> -> memref<16384xf32, #tpu.memory_space<hbm>>
    %dma_wait3A_507 = tpu.memref_slice %arg9[%multiple_of3A_489] : memref<786432xf32, #tpu.memory_space<vmem_shared>> -> memref<16384xf32, #tpu.memory_space<vmem_shared>>
    tpu.wait_dma2 semaphore(%arg20 : memref<!tpu.dma_semaphore, #tpu.memory_space<semaphore_mem>>) src(%dma_wait3A_507 : memref<16384xf32, #tpu.memory_space<vmem_shared>>) dst(%dma_wait3A_506 : memref<16384xf32, #tpu.memory_space<hbm>>)
    %add3A_508 = arith.constant 442368 : i32
    %add3A_509 = arith.addi %mul3A_2, %add3A_508 : i32
    %multiple_of3A_510 = tpu.assume_multiple %add3A_509, 16384 : i32
    %mul3A_511 = arith.constant 3 : i32
    %mul3A_512 = arith.muli %arg1, %mul3A_511 : i32
    %add3A_513 = arith.constant 1 : i32
    %add3A_514 = arith.addi %mul3A_512, %add3A_513 : i32
    %mul3A_515 = arith.constant 16384 : i32
    %mul3A_516 = arith.muli %add3A_514, %mul3A_515 : i32
    %multiple_of3A_517 = tpu.assume_multiple %mul3A_516, 16384 : i32
    %dma_start3A_518 = tpu.memref_slice %arg9[%multiple_of3A_517] : memref<786432xf32, #tpu.memory_space<vmem_shared>> -> memref<16384xf32, #tpu.memory_space<vmem_shared>>
    %dma_start3A_519 = tpu.memref_slice %arg2[%multiple_of3A_510] : memref<16777216xf32, #tpu.memory_space<hbm>> -> memref<16384xf32, #tpu.memory_space<hbm>>
    tpu.enqueue_dma source(%dma_start3A_519 : memref<16384xf32, #tpu.memory_space<hbm>>) target(%dma_start3A_518 : memref<16384xf32, #tpu.memory_space<vmem_shared>>) target_semaphore(%arg17 : memref<!tpu.dma_semaphore, #tpu.memory_space<semaphore_mem>>)
    %dma_wait3A_520 = tpu.memref_slice %arg9[%multiple_of3A_433] : memref<786432xf32, #tpu.memory_space<vmem_shared>> -> memref<16384xf32, #tpu.memory_space<vmem_shared>>
    %dma_wait3A_521 = tpu.memref_slice %arg2[%multiple_of3A_426] : memref<16777216xf32, #tpu.memory_space<hbm>> -> memref<16384xf32, #tpu.memory_space<hbm>>
    tpu.wait_dma2 semaphore(%arg18 : memref<!tpu.dma_semaphore, #tpu.memory_space<semaphore_mem>>) src(%dma_wait3A_521 : memref<16384xf32, #tpu.memory_space<hbm>>) dst(%dma_wait3A_520 : memref<16384xf32, #tpu.memory_space<vmem_shared>>)
    %add3A_522 = arith.constant 376832 : i32
    %add3A_523 = arith.addi %mul3A_2, %add3A_522 : i32
    %multiple_of3A_524 = tpu.assume_multiple %add3A_523, 16384 : i32
    %mul3A_525 = arith.constant 3 : i32
    %mul3A_526 = arith.muli %arg1, %mul3A_525 : i32
    %add3A_527 = arith.constant 2 : i32
    %add3A_528 = arith.addi %mul3A_526, %add3A_527 : i32
    %mul3A_529 = arith.constant 16384 : i32
    %mul3A_530 = arith.muli %add3A_528, %mul3A_529 : i32
    %multiple_of3A_531 = tpu.assume_multiple %mul3A_530, 16384 : i32
    %dma_start3A_532 = tpu.memref_slice %arg5[%multiple_of3A_524] : memref<16777216xf32, #tpu.memory_space<hbm>> -> memref<16384xf32, #tpu.memory_space<hbm>>
    %dma_start3A_533 = tpu.memref_slice %arg9[%multiple_of3A_531] : memref<786432xf32, #tpu.memory_space<vmem_shared>> -> memref<16384xf32, #tpu.memory_space<vmem_shared>>
    tpu.enqueue_dma source(%dma_start3A_533 : memref<16384xf32, #tpu.memory_space<vmem_shared>>) target(%dma_start3A_532 : memref<16384xf32, #tpu.memory_space<hbm>>) target_semaphore(%arg21 : memref<!tpu.dma_semaphore, #tpu.memory_space<semaphore_mem>>)
    %dma_wait3A_534 = tpu.memref_slice %arg5[%multiple_of3A_503] : memref<16777216xf32, #tpu.memory_space<hbm>> -> memref<16384xf32, #tpu.memory_space<hbm>>
    %dma_wait3A_535 = tpu.memref_slice %arg5[%multiple_of3A_503] : memref<16777216xf32, #tpu.memory_space<hbm>> -> memref<16384xf32, #tpu.memory_space<hbm>>
    tpu.wait_dma2 semaphore(%arg15 : memref<!tpu.dma_semaphore, #tpu.memory_space<semaphore_mem>>) src(%arg8 : memref<16384xf32, #tpu.memory_space<vmem>>) dst(%dma_wait3A_535 : memref<16384xf32, #tpu.memory_space<hbm>>)
    %add3A_536 = arith.constant 458752 : i32
    %add3A_537 = arith.addi %mul3A_2, %add3A_536 : i32
    %multiple_of3A_538 = tpu.assume_multiple %add3A_537, 16384 : i32
    %dma_start3A_539 = tpu.memref_slice %arg2[%multiple_of3A_538] : memref<16777216xf32, #tpu.memory_space<hbm>> -> memref<16384xf32, #tpu.memory_space<hbm>>
    %dma_start3A_540 = tpu.memref_slice %arg2[%multiple_of3A_538] : memref<16777216xf32, #tpu.memory_space<hbm>> -> memref<16384xf32, #tpu.memory_space<hbm>>
    tpu.enqueue_dma source(%dma_start3A_540 : memref<16384xf32, #tpu.memory_space<hbm>>) target(%arg8 : memref<16384xf32, #tpu.memory_space<vmem>>) target_semaphore(%arg12 : memref<!tpu.dma_semaphore, #tpu.memory_space<semaphore_mem>>)
    %dma_wait3A_541 = tpu.memref_slice %arg2[%multiple_of3A_454] : memref<16777216xf32, #tpu.memory_space<hbm>> -> memref<16384xf32, #tpu.memory_space<hbm>>
    %dma_wait3A_542 = tpu.memref_slice %arg2[%multiple_of3A_454] : memref<16777216xf32, #tpu.memory_space<hbm>> -> memref<16384xf32, #tpu.memory_space<hbm>>
    tpu.wait_dma2 semaphore(%arg10 : memref<!tpu.dma_semaphore, #tpu.memory_space<semaphore_mem>>) src(%dma_wait3A_542 : memref<16384xf32, #tpu.memory_space<hbm>>) dst(%arg6 : memref<16384xf32, #tpu.memory_space<vmem>>)
    %add3A_543 = arith.constant 393216 : i32
    %add3A_544 = arith.addi %mul3A_2, %add3A_543 : i32
    %multiple_of3A_545 = tpu.assume_multiple %add3A_544, 16384 : i32
    %dma_start3A_546 = tpu.memref_slice %arg5[%multiple_of3A_545] : memref<16777216xf32, #tpu.memory_space<hbm>> -> memref<16384xf32, #tpu.memory_space<hbm>>
    %dma_start3A_547 = tpu.memref_slice %arg5[%multiple_of3A_545] : memref<16777216xf32, #tpu.memory_space<hbm>> -> memref<16384xf32, #tpu.memory_space<hbm>>
    tpu.enqueue_dma source(%arg6 : memref<16384xf32, #tpu.memory_space<vmem>>) target(%dma_start3A_547 : memref<16384xf32, #tpu.memory_space<hbm>>) target_semaphore(%arg13 : memref<!tpu.dma_semaphore, #tpu.memory_space<semaphore_mem>>)
    %dma_wait3A_548 = tpu.memref_slice %arg5[%multiple_of3A_524] : memref<16777216xf32, #tpu.memory_space<hbm>> -> memref<16384xf32, #tpu.memory_space<hbm>>
    %dma_wait3A_549 = tpu.memref_slice %arg9[%multiple_of3A_531] : memref<786432xf32, #tpu.memory_space<vmem_shared>> -> memref<16384xf32, #tpu.memory_space<vmem_shared>>
    tpu.wait_dma2 semaphore(%arg21 : memref<!tpu.dma_semaphore, #tpu.memory_space<semaphore_mem>>) src(%dma_wait3A_549 : memref<16384xf32, #tpu.memory_space<vmem_shared>>) dst(%dma_wait3A_548 : memref<16384xf32, #tpu.memory_space<hbm>>)
    %add3A_550 = arith.constant 475136 : i32
    %add3A_551 = arith.addi %mul3A_2, %add3A_550 : i32
    %multiple_of3A_552 = tpu.assume_multiple %add3A_551, 16384 : i32
    %mul3A_553 = arith.constant 3 : i32
    %mul3A_554 = arith.muli %arg1, %mul3A_553 : i32
    %add3A_555 = arith.constant 2 : i32
    %add3A_556 = arith.addi %mul3A_554, %add3A_555 : i32
    %mul3A_557 = arith.constant 16384 : i32
    %mul3A_558 = arith.muli %add3A_556, %mul3A_557 : i32
    %multiple_of3A_559 = tpu.assume_multiple %mul3A_558, 16384 : i32
    %dma_start3A_560 = tpu.memref_slice %arg9[%multiple_of3A_559] : memref<786432xf32, #tpu.memory_space<vmem_shared>> -> memref<16384xf32, #tpu.memory_space<vmem_shared>>
    %dma_start3A_561 = tpu.memref_slice %arg2[%multiple_of3A_552] : memref<16777216xf32, #tpu.memory_space<hbm>> -> memref<16384xf32, #tpu.memory_space<hbm>>
    tpu.enqueue_dma source(%dma_start3A_561 : memref<16384xf32, #tpu.memory_space<hbm>>) target(%dma_start3A_560 : memref<16384xf32, #tpu.memory_space<vmem_shared>>) target_semaphore(%arg18 : memref<!tpu.dma_semaphore, #tpu.memory_space<semaphore_mem>>)
    %dma_wait3A_562 = tpu.memref_slice %arg9[%multiple_of3A_475] : memref<786432xf32, #tpu.memory_space<vmem_shared>> -> memref<16384xf32, #tpu.memory_space<vmem_shared>>
    %dma_wait3A_563 = tpu.memref_slice %arg2[%multiple_of3A_468] : memref<16777216xf32, #tpu.memory_space<hbm>> -> memref<16384xf32, #tpu.memory_space<hbm>>
    tpu.wait_dma2 semaphore(%arg16 : memref<!tpu.dma_semaphore, #tpu.memory_space<semaphore_mem>>) src(%dma_wait3A_563 : memref<16384xf32, #tpu.memory_space<hbm>>) dst(%dma_wait3A_562 : memref<16384xf32, #tpu.memory_space<vmem_shared>>)
    %add3A_564 = arith.constant 409600 : i32
    %add3A_565 = arith.addi %mul3A_2, %add3A_564 : i32
    %multiple_of3A_566 = tpu.assume_multiple %add3A_565, 16384 : i32
    %mul3A_567 = arith.constant 3 : i32
    %mul3A_568 = arith.muli %arg1, %mul3A_567 : i32
    %add3A_569 = arith.constant 0 : i32
    %add3A_570 = arith.addi %mul3A_568, %add3A_569 : i32
    %mul3A_571 = arith.constant 16384 : i32
    %mul3A_572 = arith.muli %add3A_570, %mul3A_571 : i32
    %multiple_of3A_573 = tpu.assume_multiple %mul3A_572, 16384 : i32
    %dma_start3A_574 = tpu.memref_slice %arg5[%multiple_of3A_566] : memref<16777216xf32, #tpu.memory_space<hbm>> -> memref<16384xf32, #tpu.memory_space<hbm>>
    %dma_start3A_575 = tpu.memref_slice %arg9[%multiple_of3A_573] : memref<786432xf32, #tpu.memory_space<vmem_shared>> -> memref<16384xf32, #tpu.memory_space<vmem_shared>>
    tpu.enqueue_dma source(%dma_start3A_575 : memref<16384xf32, #tpu.memory_space<vmem_shared>>) target(%dma_start3A_574 : memref<16384xf32, #tpu.memory_space<hbm>>) target_semaphore(%arg19 : memref<!tpu.dma_semaphore, #tpu.memory_space<semaphore_mem>>)
    %dma_wait3A_576 = tpu.memref_slice %arg5[%multiple_of3A_545] : memref<16777216xf32, #tpu.memory_space<hbm>> -> memref<16384xf32, #tpu.memory_space<hbm>>
    %dma_wait3A_577 = tpu.memref_slice %arg5[%multiple_of3A_545] : memref<16777216xf32, #tpu.memory_space<hbm>> -> memref<16384xf32, #tpu.memory_space<hbm>>
    tpu.wait_dma2 semaphore(%arg13 : memref<!tpu.dma_semaphore, #tpu.memory_space<semaphore_mem>>) src(%arg6 : memref<16384xf32, #tpu.memory_space<vmem>>) dst(%dma_wait3A_577 : memref<16384xf32, #tpu.memory_space<hbm>>)
    %add3A_578 = arith.constant 491520 : i32
    %add3A_579 = arith.addi %mul3A_2, %add3A_578 : i32
    %multiple_of3A_580 = tpu.assume_multiple %add3A_579, 16384 : i32
    %dma_start3A_581 = tpu.memref_slice %arg2[%multiple_of3A_580] : memref<16777216xf32, #tpu.memory_space<hbm>> -> memref<16384xf32, #tpu.memory_space<hbm>>
    %dma_start3A_582 = tpu.memref_slice %arg2[%multiple_of3A_580] : memref<16777216xf32, #tpu.memory_space<hbm>> -> memref<16384xf32, #tpu.memory_space<hbm>>
    tpu.enqueue_dma source(%dma_start3A_582 : memref<16384xf32, #tpu.memory_space<hbm>>) target(%arg6 : memref<16384xf32, #tpu.memory_space<vmem>>) target_semaphore(%arg10 : memref<!tpu.dma_semaphore, #tpu.memory_space<semaphore_mem>>)
    %dma_wait3A_583 = tpu.memref_slice %arg2[%multiple_of3A_496] : memref<16777216xf32, #tpu.memory_space<hbm>> -> memref<16384xf32, #tpu.memory_space<hbm>>
    %dma_wait3A_584 = tpu.memref_slice %arg2[%multiple_of3A_496] : memref<16777216xf32, #tpu.memory_space<hbm>> -> memref<16384xf32, #tpu.memory_space<hbm>>
    tpu.wait_dma2 semaphore(%arg11 : memref<!tpu.dma_semaphore, #tpu.memory_space<semaphore_mem>>) src(%dma_wait3A_584 : memref<16384xf32, #tpu.memory_space<hbm>>) dst(%arg7 : memref<16384xf32, #tpu.memory_space<vmem>>)
    %add3A_585 = arith.constant 425984 : i32
    %add3A_586 = arith.addi %mul3A_2, %add3A_585 : i32
    %multiple_of3A_587 = tpu.assume_multiple %add3A_586, 16384 : i32
    %dma_start3A_588 = tpu.memref_slice %arg5[%multiple_of3A_587] : memref<16777216xf32, #tpu.memory_space<hbm>> -> memref<16384xf32, #tpu.memory_space<hbm>>
    %dma_start3A_589 = tpu.memref_slice %arg5[%multiple_of3A_587] : memref<16777216xf32, #tpu.memory_space<hbm>> -> memref<16384xf32, #tpu.memory_space<hbm>>
    tpu.enqueue_dma source(%arg7 : memref<16384xf32, #tpu.memory_space<vmem>>) target(%dma_start3A_589 : memref<16384xf32, #tpu.memory_space<hbm>>) target_semaphore(%arg14 : memref<!tpu.dma_semaphore, #tpu.memory_space<semaphore_mem>>)
    %dma_wait3A_590 = tpu.memref_slice %arg5[%multiple_of3A_566] : memref<16777216xf32, #tpu.memory_space<hbm>> -> memref<16384xf32, #tpu.memory_space<hbm>>
    %dma_wait3A_591 = tpu.memref_slice %arg9[%multiple_of3A_573] : memref<786432xf32, #tpu.memory_space<vmem_shared>> -> memref<16384xf32, #tpu.memory_space<vmem_shared>>
    tpu.wait_dma2 semaphore(%arg19 : memref<!tpu.dma_semaphore, #tpu.memory_space<semaphore_mem>>) src(%dma_wait3A_591 : memref<16384xf32, #tpu.memory_space<vmem_shared>>) dst(%dma_wait3A_590 : memref<16384xf32, #tpu.memory_space<hbm>>)
    %add3A_592 = arith.constant 507904 : i32
    %add3A_593 = arith.addi %mul3A_2, %add3A_592 : i32
    %multiple_of3A_594 = tpu.assume_multiple %add3A_593, 16384 : i32
    %mul3A_595 = arith.constant 3 : i32
    %mul3A_596 = arith.muli %arg1, %mul3A_595 : i32
    %add3A_597 = arith.constant 0 : i32
    %add3A_598 = arith.addi %mul3A_596, %add3A_597 : i32
    %mul3A_599 = arith.constant 16384 : i32
    %mul3A_600 = arith.muli %add3A_598, %mul3A_599 : i32
    %multiple_of3A_601 = tpu.assume_multiple %mul3A_600, 16384 : i32
    %dma_start3A_602 = tpu.memref_slice %arg9[%multiple_of3A_601] : memref<786432xf32, #tpu.memory_space<vmem_shared>> -> memref<16384xf32, #tpu.memory_space<vmem_shared>>
    %dma_start3A_603 = tpu.memref_slice %arg2[%multiple_of3A_594] : memref<16777216xf32, #tpu.memory_space<hbm>> -> memref<16384xf32, #tpu.memory_space<hbm>>
    tpu.enqueue_dma source(%dma_start3A_603 : memref<16384xf32, #tpu.memory_space<hbm>>) target(%dma_start3A_602 : memref<16384xf32, #tpu.memory_space<vmem_shared>>) target_semaphore(%arg16 : memref<!tpu.dma_semaphore, #tpu.memory_space<semaphore_mem>>)
    %dma_wait3A_604 = tpu.memref_slice %arg9[%multiple_of3A_517] : memref<786432xf32, #tpu.memory_space<vmem_shared>> -> memref<16384xf32, #tpu.memory_space<vmem_shared>>
    %dma_wait3A_605 = tpu.memref_slice %arg2[%multiple_of3A_510] : memref<16777216xf32, #tpu.memory_space<hbm>> -> memref<16384xf32, #tpu.memory_space<hbm>>
    tpu.wait_dma2 semaphore(%arg17 : memref<!tpu.dma_semaphore, #tpu.memory_space<semaphore_mem>>) src(%dma_wait3A_605 : memref<16384xf32, #tpu.memory_space<hbm>>) dst(%dma_wait3A_604 : memref<16384xf32, #tpu.memory_space<vmem_shared>>)
    %add3A_606 = arith.constant 442368 : i32
    %add3A_607 = arith.addi %mul3A_2, %add3A_606 : i32
    %multiple_of3A_608 = tpu.assume_multiple %add3A_607, 16384 : i32
    %mul3A_609 = arith.constant 3 : i32
    %mul3A_610 = arith.muli %arg1, %mul3A_609 : i32
    %add3A_611 = arith.constant 1 : i32
    %add3A_612 = arith.addi %mul3A_610, %add3A_611 : i32
    %mul3A_613 = arith.constant 16384 : i32
    %mul3A_614 = arith.muli %add3A_612, %mul3A_613 : i32
    %multiple_of3A_615 = tpu.assume_multiple %mul3A_614, 16384 : i32
    %dma_start3A_616 = tpu.memref_slice %arg5[%multiple_of3A_608] : memref<16777216xf32, #tpu.memory_space<hbm>> -> memref<16384xf32, #tpu.memory_space<hbm>>
    %dma_start3A_617 = tpu.memref_slice %arg9[%multiple_of3A_615] : memref<786432xf32, #tpu.memory_space<vmem_shared>> -> memref<16384xf32, #tpu.memory_space<vmem_shared>>
    tpu.enqueue_dma source(%dma_start3A_617 : memref<16384xf32, #tpu.memory_space<vmem_shared>>) target(%dma_start3A_616 : memref<16384xf32, #tpu.memory_space<hbm>>) target_semaphore(%arg20 : memref<!tpu.dma_semaphore, #tpu.memory_space<semaphore_mem>>)
    %dma_wait3A_618 = tpu.memref_slice %arg2[%multiple_of3A_538] : memref<16777216xf32, #tpu.memory_space<hbm>> -> memref<16384xf32, #tpu.memory_space<hbm>>
    %dma_wait3A_619 = tpu.memref_slice %arg2[%multiple_of3A_538] : memref<16777216xf32, #tpu.memory_space<hbm>> -> memref<16384xf32, #tpu.memory_space<hbm>>
    tpu.wait_dma2 semaphore(%arg12 : memref<!tpu.dma_semaphore, #tpu.memory_space<semaphore_mem>>) src(%dma_wait3A_619 : memref<16384xf32, #tpu.memory_space<hbm>>) dst(%arg8 : memref<16384xf32, #tpu.memory_space<vmem>>)
    %add3A_620 = arith.constant 458752 : i32
    %add3A_621 = arith.addi %mul3A_2, %add3A_620 : i32
    %multiple_of3A_622 = tpu.assume_multiple %add3A_621, 16384 : i32
    %dma_start3A_623 = tpu.memref_slice %arg5[%multiple_of3A_622] : memref<16777216xf32, #tpu.memory_space<hbm>> -> memref<16384xf32, #tpu.memory_space<hbm>>
    %dma_start3A_624 = tpu.memref_slice %arg5[%multiple_of3A_622] : memref<16777216xf32, #tpu.memory_space<hbm>> -> memref<16384xf32, #tpu.memory_space<hbm>>
    tpu.enqueue_dma source(%arg8 : memref<16384xf32, #tpu.memory_space<vmem>>) target(%dma_start3A_624 : memref<16384xf32, #tpu.memory_space<hbm>>) target_semaphore(%arg15 : memref<!tpu.dma_semaphore, #tpu.memory_space<semaphore_mem>>)
    %dma_wait3A_625 = tpu.memref_slice %arg9[%multiple_of3A_559] : memref<786432xf32, #tpu.memory_space<vmem_shared>> -> memref<16384xf32, #tpu.memory_space<vmem_shared>>
    %dma_wait3A_626 = tpu.memref_slice %arg2[%multiple_of3A_552] : memref<16777216xf32, #tpu.memory_space<hbm>> -> memref<16384xf32, #tpu.memory_space<hbm>>
    tpu.wait_dma2 semaphore(%arg18 : memref<!tpu.dma_semaphore, #tpu.memory_space<semaphore_mem>>) src(%dma_wait3A_626 : memref<16384xf32, #tpu.memory_space<hbm>>) dst(%dma_wait3A_625 : memref<16384xf32, #tpu.memory_space<vmem_shared>>)
    %add3A_627 = arith.constant 475136 : i32
    %add3A_628 = arith.addi %mul3A_2, %add3A_627 : i32
    %multiple_of3A_629 = tpu.assume_multiple %add3A_628, 16384 : i32
    %mul3A_630 = arith.constant 3 : i32
    %mul3A_631 = arith.muli %arg1, %mul3A_630 : i32
    %add3A_632 = arith.constant 2 : i32
    %add3A_633 = arith.addi %mul3A_631, %add3A_632 : i32
    %mul3A_634 = arith.constant 16384 : i32
    %mul3A_635 = arith.muli %add3A_633, %mul3A_634 : i32
    %multiple_of3A_636 = tpu.assume_multiple %mul3A_635, 16384 : i32
    %dma_start3A_637 = tpu.memref_slice %arg5[%multiple_of3A_629] : memref<16777216xf32, #tpu.memory_space<hbm>> -> memref<16384xf32, #tpu.memory_space<hbm>>
    %dma_start3A_638 = tpu.memref_slice %arg9[%multiple_of3A_636] : memref<786432xf32, #tpu.memory_space<vmem_shared>> -> memref<16384xf32, #tpu.memory_space<vmem_shared>>
    tpu.enqueue_dma source(%dma_start3A_638 : memref<16384xf32, #tpu.memory_space<vmem_shared>>) target(%dma_start3A_637 : memref<16384xf32, #tpu.memory_space<hbm>>) target_semaphore(%arg21 : memref<!tpu.dma_semaphore, #tpu.memory_space<semaphore_mem>>)
    %dma_wait3A_639 = tpu.memref_slice %arg2[%multiple_of3A_580] : memref<16777216xf32, #tpu.memory_space<hbm>> -> memref<16384xf32, #tpu.memory_space<hbm>>
    %dma_wait3A_640 = tpu.memref_slice %arg2[%multiple_of3A_580] : memref<16777216xf32, #tpu.memory_space<hbm>> -> memref<16384xf32, #tpu.memory_space<hbm>>
    tpu.wait_dma2 semaphore(%arg10 : memref<!tpu.dma_semaphore, #tpu.memory_space<semaphore_mem>>) src(%dma_wait3A_640 : memref<16384xf32, #tpu.memory_space<hbm>>) dst(%arg6 : memref<16384xf32, #tpu.memory_space<vmem>>)
    %add3A_641 = arith.constant 491520 : i32
    %add3A_642 = arith.addi %mul3A_2, %add3A_641 : i32
    %multiple_of3A_643 = tpu.assume_multiple %add3A_642, 16384 : i32
    %dma_start3A_644 = tpu.memref_slice %arg5[%multiple_of3A_643] : memref<16777216xf32, #tpu.memory_space<hbm>> -> memref<16384xf32, #tpu.memory_space<hbm>>
    %dma_start3A_645 = tpu.memref_slice %arg5[%multiple_of3A_643] : memref<16777216xf32, #tpu.memory_space<hbm>> -> memref<16384xf32, #tpu.memory_space<hbm>>
    tpu.enqueue_dma source(%arg6 : memref<16384xf32, #tpu.memory_space<vmem>>) target(%dma_start3A_645 : memref<16384xf32, #tpu.memory_space<hbm>>) target_semaphore(%arg13 : memref<!tpu.dma_semaphore, #tpu.memory_space<semaphore_mem>>)
    %dma_wait3A_646 = tpu.memref_slice %arg9[%multiple_of3A_601] : memref<786432xf32, #tpu.memory_space<vmem_shared>> -> memref<16384xf32, #tpu.memory_space<vmem_shared>>
    %dma_wait3A_647 = tpu.memref_slice %arg2[%multiple_of3A_594] : memref<16777216xf32, #tpu.memory_space<hbm>> -> memref<16384xf32, #tpu.memory_space<hbm>>
    tpu.wait_dma2 semaphore(%arg16 : memref<!tpu.dma_semaphore, #tpu.memory_space<semaphore_mem>>) src(%dma_wait3A_647 : memref<16384xf32, #tpu.memory_space<hbm>>) dst(%dma_wait3A_646 : memref<16384xf32, #tpu.memory_space<vmem_shared>>)
    %add3A_648 = arith.constant 507904 : i32
    %add3A_649 = arith.addi %mul3A_2, %add3A_648 : i32
    %multiple_of3A_650 = tpu.assume_multiple %add3A_649, 16384 : i32
    %mul3A_651 = arith.constant 3 : i32
    %mul3A_652 = arith.muli %arg1, %mul3A_651 : i32
    %add3A_653 = arith.constant 0 : i32
    %add3A_654 = arith.addi %mul3A_652, %add3A_653 : i32
    %mul3A_655 = arith.constant 16384 : i32
    %mul3A_656 = arith.muli %add3A_654, %mul3A_655 : i32
    %multiple_of3A_657 = tpu.assume_multiple %mul3A_656, 16384 : i32
    %dma_start3A_658 = tpu.memref_slice %arg5[%multiple_of3A_650] : memref<16777216xf32, #tpu.memory_space<hbm>> -> memref<16384xf32, #tpu.memory_space<hbm>>
    %dma_start3A_659 = tpu.memref_slice %arg9[%multiple_of3A_657] : memref<786432xf32, #tpu.memory_space<vmem_shared>> -> memref<16384xf32, #tpu.memory_space<vmem_shared>>
    tpu.enqueue_dma source(%dma_start3A_659 : memref<16384xf32, #tpu.memory_space<vmem_shared>>) target(%dma_start3A_658 : memref<16384xf32, #tpu.memory_space<hbm>>) target_semaphore(%arg19 : memref<!tpu.dma_semaphore, #tpu.memory_space<semaphore_mem>>)
    %dma_wait3A_660 = tpu.memref_slice %arg5[%multiple_of3A_587] : memref<16777216xf32, #tpu.memory_space<hbm>> -> memref<16384xf32, #tpu.memory_space<hbm>>
    %dma_wait3A_661 = tpu.memref_slice %arg5[%multiple_of3A_587] : memref<16777216xf32, #tpu.memory_space<hbm>> -> memref<16384xf32, #tpu.memory_space<hbm>>
    tpu.wait_dma2 semaphore(%arg14 : memref<!tpu.dma_semaphore, #tpu.memory_space<semaphore_mem>>) src(%arg7 : memref<16384xf32, #tpu.memory_space<vmem>>) dst(%dma_wait3A_661 : memref<16384xf32, #tpu.memory_space<hbm>>)
    %dma_wait3A_662 = tpu.memref_slice %arg5[%multiple_of3A_608] : memref<16777216xf32, #tpu.memory_space<hbm>> -> memref<16384xf32, #tpu.memory_space<hbm>>
    %dma_wait3A_663 = tpu.memref_slice %arg9[%multiple_of3A_615] : memref<786432xf32, #tpu.memory_space<vmem_shared>> -> memref<16384xf32, #tpu.memory_space<vmem_shared>>
    tpu.wait_dma2 semaphore(%arg20 : memref<!tpu.dma_semaphore, #tpu.memory_space<semaphore_mem>>) src(%dma_wait3A_663 : memref<16384xf32, #tpu.memory_space<vmem_shared>>) dst(%dma_wait3A_662 : memref<16384xf32, #tpu.memory_space<hbm>>)
    %dma_wait3A_664 = tpu.memref_slice %arg5[%multiple_of3A_622] : memref<16777216xf32, #tpu.memory_space<hbm>> -> memref<16384xf32, #tpu.memory_space<hbm>>
    %dma_wait3A_665 = tpu.memref_slice %arg5[%multiple_of3A_622] : memref<16777216xf32, #tpu.memory_space<hbm>> -> memref<16384xf32, #tpu.memory_space<hbm>>
    tpu.wait_dma2 semaphore(%arg15 : memref<!tpu.dma_semaphore, #tpu.memory_space<semaphore_mem>>) src(%arg8 : memref<16384xf32, #tpu.memory_space<vmem>>) dst(%dma_wait3A_665 : memref<16384xf32, #tpu.memory_space<hbm>>)
    %dma_wait3A_666 = tpu.memref_slice %arg5[%multiple_of3A_629] : memref<16777216xf32, #tpu.memory_space<hbm>> -> memref<16384xf32, #tpu.memory_space<hbm>>
    %dma_wait3A_667 = tpu.memref_slice %arg9[%multiple_of3A_636] : memref<786432xf32, #tpu.memory_space<vmem_shared>> -> memref<16384xf32, #tpu.memory_space<vmem_shared>>
    tpu.wait_dma2 semaphore(%arg21 : memref<!tpu.dma_semaphore, #tpu.memory_space<semaphore_mem>>) src(%dma_wait3A_667 : memref<16384xf32, #tpu.memory_space<vmem_shared>>) dst(%dma_wait3A_666 : memref<16384xf32, #tpu.memory_space<hbm>>)
    %dma_wait3A_668 = tpu.memref_slice %arg5[%multiple_of3A_643] : memref<16777216xf32, #tpu.memory_space<hbm>> -> memref<16384xf32, #tpu.memory_space<hbm>>
    %dma_wait3A_669 = tpu.memref_slice %arg5[%multiple_of3A_643] : memref<16777216xf32, #tpu.memory_space<hbm>> -> memref<16384xf32, #tpu.memory_space<hbm>>
    tpu.wait_dma2 semaphore(%arg13 : memref<!tpu.dma_semaphore, #tpu.memory_space<semaphore_mem>>) src(%arg6 : memref<16384xf32, #tpu.memory_space<vmem>>) dst(%dma_wait3A_669 : memref<16384xf32, #tpu.memory_space<hbm>>)
    %dma_wait3A_670 = tpu.memref_slice %arg5[%multiple_of3A_650] : memref<16777216xf32, #tpu.memory_space<hbm>> -> memref<16384xf32, #tpu.memory_space<hbm>>
    %dma_wait3A_671 = tpu.memref_slice %arg9[%multiple_of3A_657] : memref<786432xf32, #tpu.memory_space<vmem_shared>> -> memref<16384xf32, #tpu.memory_space<vmem_shared>>
    tpu.wait_dma2 semaphore(%arg19 : memref<!tpu.dma_semaphore, #tpu.memory_space<semaphore_mem>>) src(%dma_wait3A_671 : memref<16384xf32, #tpu.memory_space<vmem_shared>>) dst(%dma_wait3A_670 : memref<16384xf32, #tpu.memory_space<hbm>>)
    return
  }
}

</mosaic_0001>

<sc_bundles>
// kernel: kernel.3.cloned.1.call-start
scs
__scs_entry_jumppad:
0x0: {  	(pc) =	sbr.rel $0x88, $3  }
0x1: {  	(tag) =	ssettag $0x0;
	lr =	simm.s32 $0x1  }
0x2: {  	[smem:$0x3F9E] =	sst lr;
	_ =	strace $0xD0000000  }
0x3: {  	_ = 	snop  }
0x4: {  	_ = 	snop  }
0x5: {  	_ = 	snop  }
0x6: {  	_ = 	snop  }
0x7: {  	_ = 	snop  }
__scs_overlays_trampoline_lowered:
0x8: {  	[smem:$0x3FAD] =	sst s0  }
0x9: {  	[smem:$0x3FAE] =	sst s1  }
0xa: {  	[smem:$0x3FAF] =	sst s2  }
0xb: {  	[smem:$0x3FB0] =	sst s3  }
0xc: {  	[smem:$0x3FB1] =	sst s4  }
0xd: {  	[smem:$0x3FB2] =	sst s5  }
0xe: {  	[smem:$0x3FB3] =	sst s6  }
0xf: {  	[smem:$0x3FB4] =	sst s7  }
0x10: {  	[smem:$0x3FB5] =	sst s8  }
0x11: {  	[smem:$0x3FB6] =	sst s9;
	s0 =	simm.s32 @!p0 $0x0  }
0x12: {  	s1 =	sld [smem:$0x3F9C];
	s0 =	simm.s32 @p0 $0x1  }
0x13: {  	[smem:$0x3FB7] =	sst s0;
	s0 =	simm.s32 @!p1 $0x0  }
0x14: {  	s2 =	sld [smem:$0x3F9B];
	s0 =	simm.s32 @p1 $0x1  }
0x15: {  	[smem:$0x3FB8] =	sst s0;
	s0 =	simm.s32 @!p2 $0x0  }
0x16: {  	s3 =	sld [smem:$0x3FDB];
	s0 =	simm.s32 @p2 $0x1  }
0x17: {  	s4 =	simm.s32 $0x1BF5;
	[smem:$0x3FBA] =	sst s0  }
0x18: {  	s0 =	sld [smem:$0x3F9D];
	_ =	swait.ge [sflag:s4], $0x0  }
0x19: {  	s7 =	sld [smem:$0x3F9E]  }
0x1a: {  	s8 =	sadd.s32 $0xFFFFE003, lr  }
0x1b: {  	s9 =	sadd.s32 $0xFFFFFEF7, lr;
	s5 =	simm.s32 $0xFFFFFFFF;
	p2 =	slt.u32 s8, $0xFFFFF086  }
0x1c: {  	p1 =	slt.u32 s9, $0xF7A;
	s5 =	simm.s32 @!p2 $0x0  }
0x1d: {  	s5 =	simm.s32 @p1 $0x1;
	p0 =	seq.s32 s7, s2  }
0x1e: {  	s7 =	smul.u32 @!p0 $0xF7A, s2;
	p2 =	seq.s32 @!p0 s5, $0x0  }
0x1f: {  	s9 =	smul.u32 $0xF7A, s1;
	s8 =	simm.s32 @!p0 $0x1BF5;
	p2 =	por !p2, p0  }
0x20: {  	[sflag:s8] =	ssyncset.s32 @!p0 $0xFFFFF086;
	s6 =	sadd.s32 @!p0 s3, s7;
	s7 =	simm.s32 @!p0 $0x108  }
0x21: {  	s3 =	sadd.s32 s3, s9;
	s6 =	sadd.s32 @!p0 $0x88, s6;
	s7 =	simm.s32 @p2 $0x1082  }
0x22: {  	[simem:s7], [sflag:s8] =	dma.local @!p0 [hbm:s6], $0xF7A  }
0x23: {  	s9 =	sor.u32 $0xD0000000, s2;
	s6 =	simm.s32 $0x108;
	_ =	swait.ge @!p0 [sflag:s8], $0x0  }
0x24: {  	s3 =	sadd.s32 $0x88, s3;
	s6 =	simm.s32 @!p1 $0x1082;
	[sflag:s4] =	ssyncset.s32 $0xFFFFF086  }
0x25: {  	[simem:s6], [sflag:s4] =	dma.local [hbm:s3], $0xF7A  }
0x26: {  	[smem:$0x3F9E] =	sst s1;
	(tag) =	ssettag s2;
	_ =	strace s9  }
0x27: {  	s1 =	sld [smem:$0x3FAE]  }
0x28: {  	s2 =	sld [smem:$0x3FAF]  }
0x29: {  	s4 =	sld [smem:$0x3FB1]  }
0x2a: {  	p0 =	seq.s32 s5, $0x0;
	s5 =	sld [smem:$0x3FB2]  }
0x2b: {  	s6 =	sld [smem:$0x3FB3]  }
0x2c: {  	s7 =	sld [smem:$0x3FB4]  }
0x2d: {  	s3 =	simm.s32 $0x108;
	s8 =	sld [smem:$0x3FB5]  }
0x2e: {  	s3 =	simm.s32 @!p0 $0x1082;
	s9 =	sld [smem:$0x3FB6]  }
0x2f: {  	lr =	sadd.s32 s0, s3;
	s0 =	sld [smem:$0x3FAD]  }
0x30: {  	s3 =	sld [smem:$0x3FB0]  }
0x31: {  	[smem:$0x3FB9] =	sst s10  }
0x32: {  	s10 =	sld [smem:$0x3FB7];
	_ =	sdelay $0x3  }
0x33: {  	p0 =	seq.s32 s10, $0x1;
	s10 =	sld [smem:$0x3FB9];
	_ =	sdelay $0x3  }
0x34: {  	[smem:$0x3FB9] =	sst s10  }
0x35: {  	s10 =	sld [smem:$0x3FB8];
	_ =	sdelay $0x3  }
0x36: {  	p1 =	seq.s32 s10, $0x1;
	s10 =	sld [smem:$0x3FB9];
	_ =	sdelay $0x3  }
0x37: {  	[smem:$0x3FB9] =	sst s10  }
0x38: {  	s10 =	sld [smem:$0x3FBA]  }
0x39: {  	_ = 	snop;
	(pc) =	sbr.ind lr, $3  }
0x3a: {  	_ = 	snop  }
0x3b: {  	_ = 	snop  }
0x3c: {  	p2 =	seq.s32 s10, $0x1;
	s10 =	sld [smem:$0x3FB9]  }
0x3d: {  	_ =	shalt  }
0x3e: {  	_ =	shalt  }
0x3f: {  	_ =	shalt  }
0x40: {  	_ =	shalt  }
0x41: {  	_ =	shalt  }
0x42: {  	_ =	shalt  }
0x43: {  	_ =	shalt  }
0x44: {  	_ =	shalt  }
0x45: {  	_ =	shalt  }
0x46: {  	_ =	shalt  }
0x47: {  	_ =	shalt  }
0x48: {  	_ =	shalt  }
0x49: {  	_ =	shalt  }
0x4a: {  	_ =	shalt  }
0x4b: {  	_ =	shalt  }
0x4c: {  	_ =	shalt  }
0x4d: {  	_ =	shalt  }
0x4e: {  	_ =	shalt  }
0x4f: {  	_ =	shalt  }
0x50: {  	_ =	shalt  }
0x51: {  	_ =	shalt  }
0x52: {  	_ =	shalt  }
0x53: {  	_ =	shalt  }
0x54: {  	_ =	shalt  }
0x55: {  	_ =	shalt  }
0x56: {  	_ =	shalt  }
0x57: {  	_ =	shalt  }
0x58: {  	_ =	shalt  }
0x59: {  	_ =	shalt  }
0x5a: {  	_ =	shalt  }
0x5b: {  	_ =	shalt  }
0x5c: {  	_ =	shalt  }
0x5d: {  	_ =	shalt  }
0x5e: {  	_ =	shalt  }
0x5f: {  	_ =	shalt  }
0x60: {  	_ =	shalt  }
0x61: {  	_ =	shalt  }
0x62: {  	_ =	shalt  }
0x63: {  	_ =	shalt  }
0x64: {  	_ =	shalt  }
0x65: {  	_ =	shalt  }
0x66: {  	_ =	shalt  }
0x67: {  	_ =	shalt  }
0x68: {  	_ =	shalt  }
0x69: {  	_ =	shalt  }
0x6a: {  	_ =	shalt  }
0x6b: {  	_ =	shalt  }
0x6c: {  	_ =	shalt  }
0x6d: {  	_ =	shalt  }
0x6e: {  	_ =	shalt  }
0x6f: {  	_ =	shalt  }
0x70: {  	_ =	shalt  }
0x71: {  	_ =	shalt  }
0x72: {  	_ =	shalt  }
0x73: {  	_ =	shalt  }
0x74: {  	_ =	shalt  }
0x75: {  	_ =	shalt  }
0x76: {  	_ =	shalt  }
0x77: {  	_ =	shalt  }
0x78: {  	_ =	shalt  }
0x79: {  	_ =	shalt  }
0x7a: {  	_ =	shalt  }
0x7b: {  	_ =	shalt  }
0x7c: {  	_ =	shalt  }
0x7d: {  	_ =	shalt  }
0x7e: {  	_ =	shalt  }
0x7f: {  	_ =	shalt  }
0x80: {  	_ =	shalt  }
0x81: {  	_ =	shalt  }
0x82: {  	_ =	shalt  }
0x83: {  	_ =	shalt  }
0x84: {  	_ =	shalt  }
0x85: {  	_ =	shalt  }
0x86: {  	_ =	shalt  }
0x87: {  	_ =	shalt  }
.Lfunc_end0:
.L_simem_size_0:
called_computation_lowered:
.L_overlay_start_0:
0x88: {  	s2 =	sld [smem:$0x3FD9]  }
0x89: {  	s3 =	sld [smem:$0x3FFE];
	_ =	sdelay $0x1  }
0x8a: {  	s1 =	srdreg.scid  }
0x8b: {  	s0 =	sand.u32 $0x1, s1  }
0x8c: {  	s18 =	sshll.u32 s0, $0xA;
	s2 =	sadd.s32 s3, s2  }
0x8d: {  	s2 =	sadd.s32 s2, s18  }
0x8e: {  	[smem:$0x3FC5] =	sst s2  }
0x8f: {  	_ = 	snop  }
0x90: {  	s2 =	sld [smem:$0x3FC9]  }
0x91: {  	s19 =	sld [smem:$0x3FD0];
	(tm) =	ssettm $0x1  }
0x92: {  	s4 =	sld [smem:$0x3FFB];
	_ =	sdelay $0x3  }
0x93: {  	_ =	strace s4  }
0x94: {  	s4 =	sld [smem:$0x3FFC];
	_ =	sdelay $0x3  }
0x95: {  	_ =	strace s4  }
0x96: {  	s4 =	sld [smem:$0x3FFD];
	_ =	sdelay $0x3  }
0x97: {  	_ =	strace s4  }
0x98: {  	_ =	strace $0x8FFFFFFF  }
0x99: {  	s20 =	sld [smem:$0x3FDB];
	_ =	sdelay $0x1  }
0x9a: {  	s5 =	simm.s32 $_scs_section_size  }
0x9b: {  	s6 =	simm.s32 $_size__tile_overlayer_lowered;
	s7 =	simm.s32 $_tile_overlayer_lowered  }
0x9c: {  	s23 =	simm.s32 $0x1BFF;
	s22 =	sshll.u32 s7, $0x1;
	s4 =	sadd.s32 s5, s20  }
0x9d: {  	s8 =	simm.s32 $0x0;
	s21 =	sshll.u32 s6, $0x1;
	s6 =	sadd.s32 s22, s4  }
0x9e: {  	[timem:s8], [sflag:s23] =	dma.local [hbm:s6], s21  }
0x9f: {  	_ =	swait.ge [sflag:s23], s21  }
0xa0: {  	s5 =	ssub.s32 $0x0, s21;
	[sflag:s23] =	ssyncset.done $0x0  }
0xa1: {  	[sflag:s23] =	ssyncadd.s32 s5;
	_ =	sdelay $0x1  }
0xa2: {  	s24 =	simm.s32 $0x1B8B  }
0xa3: {  	_ =	swait.ge [sflag:s24], $0x1  }
0xa4: {  	[sflag:s24] =	ssyncset.done $0x0  }
0xa5: {  	s25 =	simm.s32 $0x1B8E;
	[sflag:s24] =	ssyncadd.s32 $0xFFFFFFFF  }
0xa6: {  	s26 =	simm.s32 $execute0_lowered;
	[smem:$0x3FD2] =	sst s25  }
0xa7: {  	s5 =	sshll.u32 s26, $0x1;
	_ =	strace $0x80000046;
	[dreg:$0x1] =	wrdreg $0xFFFFFFFF  }
0xa8: {  	s28 =	simm.s32 $_size_execute0_lowered;
	s4 =	sadd.s32 s4, s5;
	[dreg:$0x0] =	wrdreg $0x0  }
0xa9: {  	s5 =	sshll.u32 s28, $0x1;
	[dreg:$0x2] =	wrdreg s4  }
0xaa: {  	[dreg:$0x3] =	wrdreg s5  }
0xab: {  	[dreg:$0x4] =	wrdreg $0xC0  }
0xac: {  	_ =	task [dreg:s8], $0x5FFFF  }
0xad: {  	[dreg:$0x1] =	wrdreg $0xFFFFFFFF  }
0xae: {  	[dreg:$0x0] =	wrdreg $0x60  }
0xaf: {  	[dreg:$0x2] =	wrdreg s2  }
0xb0: {  	[dreg:$0x3] =	wrdreg s19  }
0xb1: {  	[dreg:$0x4] =	wrdreg $0xC0000  }
0xb2: {  	[dreg:$0x5] =	wrdreg $0x9  }
0xb3: {  	_ =	task.clear_ibuf [dreg:s8], $0x6FFFF;
	_ =	strace $0x90000046  }
0xb4: {  	s29 =	simm.s32 $0x9;
	_ =	strace $0x80000048  }
0xb5: {  	_ =	swait.ge [sflag:s29], $0x1  }
0xb6: {  	[sflag:s29] =	ssyncadd.s32 $0xFFFFFFFF  }
0xb7: {  	_ =	strace $0x90000048  }
0xb8: {  	_ =	sfence  }
0xb9: {  	s30 =	sld [smem:$0x0];
	_ =	sdelay $0x2  }
0xba: {  	s31 =	sshll.u32 s1, $0xD;
	s1 =	sshrl.u32 s1, $0x2  }
0xbb: {  	s3 =	sand.u32 $0x4000, s31;
	s1 =	sadd.s32 s1, s30  }
0xbc: {  	s0 =	sor.u32 s3, s0;
	s1 =	sshll.u32 s1, $0x11  }
0xbd: {  	s0 =	sor.u32 s1, s0  }
0xbe: {  	s0 =	sadd.s32 $0x8F2B, s0  }
0xbf: {  	[sflag:s0] =	ssyncadd.remote.s32 $0x1  }
0xc0: {  	_ =	sfence.sel $0xFFFF  }
0xc1: {  	[dreg:$0x0] =	wrdreg $0xFFFFFFFF;
	(pc) =	sbr.abs _section_cstart, $3  }
0xc2: {  	[dreg:$0x1] =	wrdreg $0xFFFFFFFF  }
0xc3: {  	_ =	task.clear_ibuf [dreg:s8], $0x2FFFF;
	_ =	strace $0x9FFFFFFF  }
0xc4: {  	(tm) =	ssettm $0x7FFFFFFF  }
0xc5: {  	_ =	shalt  }
tec
execute0_lowered:
.L_overlay_start_1:
0x0: {  	(tag) =	ssettag $0x1  }
0x1: {  	s3 =	rddreg [dreg:$0x0]  }
0x2: {  	s0 =	rddreg [dreg:$0x1];
	s1 =	srdreg.scid  }
0x3: {  	s5 =	rddreg [dreg:$0x2];
	s31 =	stileid.u32;
	s6 =	sand.u32 $0x1, s1  }
0x4: {  	s2 =	simm.s32 $0x0;
	s25 =	sshll.u32 s31, $0x11;
	s4 =	sshll.u32 s6, $0x10  }
0x5: {  	[smem:$0x7FF] =	sst s2;
	s4 =	sor.u32 s4, s25  }
0x6: {  	s30 =	rddreg [dreg:$0x3];
	_ =	strace $0x80000047;
	s1 =	sadd.s32 s3, s4  }
0x7: {  	s7 =	sor.u32 $0x800, s4;
	s12 =	sadd.s32 s0, s4;
	[dreg:$0x4] =	wrdreg s1  }
0x8: {  	s8 =	sor.u32 $0x1000, s4;
	s26 =	sadd.s32 s3, s7;
	[dreg:$0x9] =	wrdreg s12  }
0x9: {  	s9 =	sor.u32 $0x1800, s4;
	s28 =	sadd.s32 s3, s8;
	[dreg:$0x5] =	wrdreg s26  }
0xa: {  	s10 =	sor.u32 $0x2000, s4;
	s29 =	sadd.s32 s3, s9;
	[dreg:$0x6] =	wrdreg s28  }
0xb: {  	s11 =	sadd.s32 s3, s10;
	[dreg:$0x7] =	wrdreg s29  }
0xc: {  	s15 =	sor.u32 $0x3000, s4;
	s14 =	sadd.s32 s0, s7;
	[dreg:$0x8] =	wrdreg s11  }
0xd: {  	s16 =	sadd.s32 s3, s15;
	[dreg:$0xb] =	wrdreg s14  }
0xe: {  	s18 =	sor.u32 $0x3800, s4;
	s17 =	sadd.s32 s0, s8;
	[dreg:$0xc] =	wrdreg s16  }
0xf: {  	s19 =	sadd.s32 s3, s18;
	[dreg:$0xd] =	wrdreg s17  }
0x10: {  	s21 =	sor.u32 $0x4000, s4;
	s20 =	sadd.s32 s0, s9;
	[dreg:$0xe] =	wrdreg s19  }
0x11: {  	s22 =	sadd.s32 s3, s21;
	[dreg:$0xf] =	wrdreg s20  }
0x12: {  	s24 =	sor.u32 $0x4800, s4;
	s23 =	sadd.s32 s0, s10;
	[dreg:$0x10] =	wrdreg s22  }
0x13: {  	s25 =	sadd.s32 s3, s24;
	[dreg:$0x11] =	wrdreg s23  }
0x14: {  	s7 =	sadd.s32 s0, s15;
	[dreg:$0x12] =	wrdreg s25  }
0x15: {  	[dreg:$0x15] =	wrdreg s7  }
0x16: {  	s15 =	sor.u32 $0x6000, s4;
	s14 =	sadd.s32 s0, s18;
	s1 =	rddreg [dreg:$0x4]  }
0x17: {  	s16 =	sadd.s32 s3, s15;
	[dreg:$0x17] =	wrdreg s14  }
0x18: {  	s17 =	sadd.s32 s0, s21;
	[dreg:$0x18] =	wrdreg s16  }
0x19: {  	s11 =	sor.u32 $0x2800, s4;
	s20 =	sadd.s32 s0, s24;
	[dreg:$0x19] =	wrdreg s17  }
0x1a: {  	s13 =	sadd.s32 s3, s11;
	[dreg:$0x1b] =	wrdreg s20  }
0x1b: {  	s28 =	sor.u32 $0x5000, s4;
	s26 =	sadd.s32 s0, s11;
	[dreg:$0xa] =	wrdreg s13  }
0x1c: {  	s18 =	sor.u32 $0x6800, s4;
	s29 =	sadd.s32 s3, s28;
	[dreg:$0x13] =	wrdreg s26  }
0x1d: {  	s21 =	sor.u32 $0x7000, s4;
	s19 =	sadd.s32 s3, s18;
	[dreg:$0x14] =	wrdreg s29  }
0x1e: {  	s22 =	sadd.s32 s3, s21;
	[dreg:$0x1a] =	wrdreg s19  }
0x1f: {  	s24 =	sor.u32 $0x7800, s4;
	s23 =	sadd.s32 s0, s28;
	[dreg:$0x1c] =	wrdreg s22  }
0x20: {  	s12 =	sor.u32 $0x5800, s4;
	s25 =	sadd.s32 s3, s24;
	[dreg:$0x1d] =	wrdreg s23  }
0x21: {  	s13 =	sadd.s32 s3, s12;
	[dreg:$0x1e] =	wrdreg s25  }
0x22: {  	s28 =	sor.u32 $0x8000, s4;
	s26 =	sadd.s32 s0, s12;
	[dreg:$0x16] =	wrdreg s13  }
0x23: {  	s29 =	sadd.s32 s3, s28;
	[dreg:$0x1f] =	wrdreg s26  }
0x24: {  	p0 =	por $0x0, $0x0;
	s12 =	sadd.s32 s0, s15;
	[smem:$0x7DE] =	sst s29  }
0x25: {  	s16 =	sor.u32 $0x9000, s4;
	s15 =	sadd.s32 s0, s18;
	[smem:$0x7DF] =	sst s12  }
0x26: {  	s6 =	ssub.s32 $0x2, s6;
	s17 =	sadd.s32 s3, s16;
	[smem:$0x7E1] =	sst s15  }
0x27: {  	s10 =	simm.s32 $0x7;
	s18 =	sadd.s32 s0, s21;
	[smem:$0x7E2] =	sst s17  }
0x28: {  	s11 =	simm.s32 $0xB;
	s21 =	sadd.s32 s0, s24;
	[smem:$0x7E3] =	sst s18  }
0x29: {  	s19 =	sor.u32 $0x9800, s4;
	s24 =	sadd.s32 s0, s28;
	[smem:$0x7E5] =	sst s21  }
0x2a: {  	s22 =	sor.u32 $0xA000, s4;
	s20 =	sadd.s32 s3, s19;
	[smem:$0x7E7] =	sst s24  }
0x2b: {  	s25 =	sor.u32 $0xA800, s4;
	s23 =	sadd.s32 s3, s22;
	[smem:$0x7E4] =	sst s20  }
0x2c: {  	s13 =	sor.u32 $0x8800, s4;
	s26 =	sadd.s32 s3, s25;
	[smem:$0x7E6] =	sst s23  }
0x2d: {  	s29 =	sor.u32 $0xB000, s4;
	s14 =	sadd.s32 s3, s13;
	[smem:$0x7E8] =	sst s26  }
0x2e: {  	s17 =	sor.u32 $0xC000, s4;
	s28 =	sadd.s32 s0, s13;
	[smem:$0x7E0] =	sst s14  }
0x2f: {  	s24 =	smul.u32 $0x30000, s31;
	s12 =	sadd.s32 s3, s29;
	[smem:$0x7E9] =	sst s28  }
0x30: {  	s13 =	sadd.s32 s0, s16;
	s16 =	sadd.s32 s0, s19;
	[smem:$0x7EA] =	sst s12  }
0x31: {  	s18 =	sadd.s32 s3, s17;
	s19 =	sadd.s32 s0, s22;
	[smem:$0x7EB] =	sst s13  }
0x32: {  	s20 =	sor.u32 $0xC800, s4;
	s22 =	sadd.s32 s0, s25;
	[smem:$0x7ED] =	sst s16  }
0x33: {  	s23 =	sor.u32 $0xD000, s4;
	s26 =	sadd.s32 s0, s29;
	[smem:$0x7EE] =	sst s18  }
0x34: {  	s14 =	sor.u32 $0xB800, s4;
	s12 =	sshrl.u32 s6, $0x1;
	[smem:$0x7EF] =	sst s19  }
0x35: {  	s21 =	sadd.s32 s3, s20;
	[smem:$0x7F1] =	sst s22;
	s25 =	sadd.s32 s3, s23  }
0x36: {  	s28 =	sor.u32 $0xD800, s4;
	s7 =	sshrl.u32 s24, $0x2;
	[smem:$0x7F3] =	sst s26  }
0x37: {  	s16 =	sadd.s32 s0, s17;
	s17 =	sor.u32 $0xE800, s4;
	s19 =	sadd.s32 s0, s20  }
0x38: {  	s20 =	sor.u32 $0xF000, s4;
	s22 =	sadd.s32 s0, s23;
	[smem:$0x7F0] =	sst s21  }
0x39: {  	s15 =	sadd.s32 s3, s14;
	s13 =	ssub.s32 s6, s12;
	[smem:$0x7F2] =	sst s25  }
0x3a: {  	s29 =	sadd.s32 s3, s28;
	s9 =	sadd.s32 s0, s14;
	[smem:$0x7F7] =	sst s16  }
0x3b: {  	s12 =	sor.u32 $0xE000, s4;
	s14 =	sadd.s32 s7, s5;
	[smem:$0x7F9] =	sst s19  }
0x3c: {  	s25 =	sshll.u32 s31, $0x6;
	s18 =	sadd.s32 s3, s17;
	[smem:$0x7FB] =	sst s22  }
0x3d: {  	s21 =	sadd.s32 s3, s20;
	s4 =	sor.u32 $0xF800, s4;
	[smem:$0x7EC] =	sst s15  }
0x3e: {  	s28 =	sadd.s32 s0, s28;
	s8 =	sadd.s32 s0, s17;
	[smem:$0x7F4] =	sst s29  }
0x3f: {  	s6 =	sadd.s32 s0, s20;
	s22 =	simm.s32 $0x4000;
	[smem:$0x7F5] =	sst s9  }
0x40: {  	s17 =	simm.s32 $0x8000;
	s20 =	simm.s32 $0x9;
	[smem:$0x7F8] =	sst s18  }
0x41: {  	s15 =	sadd.s32 s3, s12;
	s7 =	sor.u32 $0x1C07, s25;
	[smem:$0x7FA] =	sst s21  }
0x42: {  	s23 =	sadd.s32 $0x4000, s14;
	s24 =	sadd.s32 s3, s4;
	s26 =	sadd.s32 $0x8000, s14  }
0x43: {  	[smem:$0x7FD] =	sst s28;
	s12 =	sadd.s32 s0, s12;
	s29 =	smax.u32 s13, $0x1  }
0x44: {  	s5 =	sadd.s32 s0, s4;
	s4 =	simm.s32 $0x4;
	p1 =	sne.s32 s29, $0x1  }
.Ltmp0:
0x45: {  	s3 =	simm.s32 $0xA;
	s13 =	simm.s32 $0x5;
	(pc) =	sbr.rel @!p1 .LBB2_5-.Ltmp0, $4  }
0x46: {  	s21 =	simm.s32 $0x3;
	s9 =	simm.s32 $0x6;
	[smem:$0x7F6] =	sst s15  }
0x47: {  	s19 =	sshrl.u32 s14, $0x3;
	s14 =	simm.s32 $0xC;
	[smem:$0x7FC] =	sst s24  }
0x48: {  	s18 =	sshrl.u32 s23, $0x3;
	s15 =	simm.s32 $0x1;
	s16 =	sshrl.u32 s26, $0x3  }
0x49: {  	s24 =	simm.s32 $0x2;
	s23 =	simm.s32 $0x8;
	s0 =	sadd.s32 $0xFFFFFFFF, s29  }
0x4a: {  	s26 =	rddreg [dreg:$0x5]  }
0x4b: {  	[tilespmem:s2], [sflag:$0x1] =	stream.linear.gather [hbm4b:s1+s2], $0x4000, $0x38;
	[tilespmem:$0x18000] =	vst v63  }
0x4c: {  	[spmem:s19], [sflag:s7] =	dma.local [hbm:s26], $0x800  }
0x4d: {  	s1 =	rddreg [dreg:$0x6]  }
0x4e: {  	s26 =	sor.u32 $0x1C08, s25;
	s28 =	rddreg [dreg:$0x7]  }
0x4f: {  	[tilespmem:s22], [sflag:$0x2] =	stream.linear.gather [hbm4b:s1+s2], $0x4000, $0x38;
	[tilespmem:$0x18000] =	vst v63  }
0x50: {  	[spmem:s18], [sflag:s26] =	dma.local [hbm:s28], $0x800  }
0x51: {  	s1 =	rddreg [dreg:$0x8]  }
0x52: {  	[tilespmem:s17], [sflag:$0x3] =	stream.linear.gather [hbm4b:s1+s2], $0x4000, $0x38;
	[tilespmem:$0x18000] =	vst v63  }
0x53: {  	_ =	swait.ge [sflag:s15], $0x4000  }
0x54: {  	s1 =	rddreg [dreg:$0x9];
	[sflag:s15] =	ssyncset.done $0x0  }
0x55: {  	s28 =	sor.u32 $0x1C09, s25;
	s29 =	rddreg [dreg:$0xa];
	[sflag:s15] =	ssyncadd.s32 $0xFFFFC000  }
0x56: {  	[hbm4b:s1+s2] =	stream.linear.scatter [tilespmem:s2], [sflag:$0x4], $0x4000, $0x38;
	[tilespmem:$0x18000] =	vst v63  }
0x57: {  	[spmem:s16], [sflag:s28] =	dma.local [hbm:s29], $0x800  }
0x58: {  	_ =	swait.ge [sflag:s10], $0x800  }
0x59: {  	[sflag:s10] =	ssyncset.done $0x0  }
0x5a: {  	s29 =	sor.u32 $0x1C0A, s25;
	s1 =	rddreg [dreg:$0xb];
	[sflag:s10] =	ssyncadd.s32 $0xFFFFF800  }
0x5b: {  	[hbm:s1], [sflag:s29] =	dma.local [spmem:s19], $0x800  }
0x5c: {  	_ =	swait.ge [sflag:s4], $0x4000  }
0x5d: {  	[sflag:s4] =	ssyncset.done $0x0  }
0x5e: {  	s1 =	rddreg [dreg:$0xc];
	[sflag:s4] =	ssyncadd.s32 $0xFFFFC000  }
0x5f: {  	[tilespmem:s2], [sflag:$0x1] =	stream.linear.gather [hbm4b:s1+s2], $0x4000, $0x38;
	[tilespmem:$0x18000] =	vst v63  }
0x60: {  	_ =	swait.ge [sflag:s24], $0x4000  }
0x61: {  	[sflag:s24] =	ssyncset.done $0x0  }
0x62: {  	s1 =	rddreg [dreg:$0xd];
	[sflag:s24] =	ssyncadd.s32 $0xFFFFC000  }
0x63: {  	[hbm4b:s1+s2] =	stream.linear.scatter [tilespmem:s22], [sflag:$0x5], $0x4000, $0x38;
	[tilespmem:$0x18000] =	vst v63  }
0x64: {  	_ =	swait.ge [sflag:s3], $0x800  }
0x65: {  	[sflag:s3] =	ssyncset.done $0x0  }
0x66: {  	s1 =	rddreg [dreg:$0xe];
	[sflag:s3] =	ssyncadd.s32 $0xFFFFF800  }
0x67: {  	[spmem:s19], [sflag:s7] =	dma.local [hbm:s1], $0x800  }
0x68: {  	_ =	swait.ge [sflag:s23], $0x800  }
0x69: {  	[sflag:s23] =	ssyncset.done $0x0  }
0x6a: {  	s30 =	sor.u32 $0x1C0B, s25;
	s1 =	rddreg [dreg:$0xf];
	[sflag:s23] =	ssyncadd.s32 $0xFFFFF800  }
0x6b: {  	[hbm:s1], [sflag:s30] =	dma.local [spmem:s18], $0x800  }
0x6c: {  	_ =	swait.ge [sflag:s13], $0x4000  }
0x6d: {  	[sflag:s13] =	ssyncset.done $0x0  }
0x6e: {  	s1 =	rddreg [dreg:$0x10];
	[sflag:s13] =	ssyncadd.s32 $0xFFFFC000  }
0x6f: {  	[tilespmem:s22], [sflag:$0x2] =	stream.linear.gather [hbm4b:s1+s2], $0x4000, $0x38;
	[tilespmem:$0x18000] =	vst v63  }
0x70: {  	_ =	swait.ge [sflag:s21], $0x4000  }
0x71: {  	[sflag:s21] =	ssyncset.done $0x0  }
0x72: {  	s1 =	rddreg [dreg:$0x11];
	[sflag:s21] =	ssyncadd.s32 $0xFFFFC000  }
0x73: {  	[hbm4b:s1+s2] =	stream.linear.scatter [tilespmem:s17], [sflag:$0x6], $0x4000, $0x38;
	[tilespmem:$0x18000] =	vst v63  }
0x74: {  	_ =	swait.ge [sflag:s11], $0x800  }
0x75: {  	[sflag:s11] =	ssyncset.done $0x0  }
0x76: {  	s1 =	rddreg [dreg:$0x12];
	[sflag:s11] =	ssyncadd.s32 $0xFFFFF800  }
0x77: {  	[spmem:s18], [sflag:s26] =	dma.local [hbm:s1], $0x800  }
0x78: {  	_ =	swait.ge [sflag:s20], $0x800  }
0x79: {  	s1 =	rddreg [dreg:$0x13];
	[sflag:s20] =	ssyncset.done $0x0  }
0x7a: {  	s31 =	sor.u32 $0x1C0C, s25;
	[smem:$0x7DD] =	sst s25;
	[sflag:s20] =	ssyncadd.s32 $0xFFFFF800  }
0x7b: {  	[hbm:s1], [sflag:s31] =	dma.local [spmem:s16], $0x800  }
0x7c: {  	_ =	swait.ge [sflag:s9], $0x4000  }
0x7d: {  	[sflag:s9] =	ssyncset.done $0x0  }
0x7e: {  	s25 =	rddreg [dreg:$0x14];
	[sflag:s9] =	ssyncadd.s32 $0xFFFFC000  }
0x7f: {  	[tilespmem:s17], [sflag:$0x3] =	stream.linear.gather [hbm4b:s25+s2], $0x4000, $0x38;
	[tilespmem:$0x18000] =	vst v63  }
0x80: {  	_ =	swait.ge [sflag:s15], $0x4000  }
0x81: {  	[sflag:s15] =	ssyncset.done $0x0  }
0x82: {  	s25 =	rddreg [dreg:$0x15];
	[sflag:s15] =	ssyncadd.s32 $0xFFFFC000  }
0x83: {  	[hbm4b:s25+s2] =	stream.linear.scatter [tilespmem:s2], [sflag:$0x4], $0x4000, $0x38;
	[tilespmem:$0x18000] =	vst v63  }
0x84: {  	_ =	swait.ge [sflag:s14], $0x800  }
0x85: {  	[sflag:s14] =	ssyncset.done $0x0  }
0x86: {  	s25 =	rddreg [dreg:$0x16];
	[sflag:s14] =	ssyncadd.s32 $0xFFFFF800  }
0x87: {  	[spmem:s16], [sflag:s28] =	dma.local [hbm:s25], $0x800  }
0x88: {  	_ =	swait.ge [sflag:s10], $0x800  }
0x89: {  	[sflag:s10] =	ssyncset.done $0x0  }
0x8a: {  	s25 =	rddreg [dreg:$0x17];
	[sflag:s10] =	ssyncadd.s32 $0xFFFFF800  }
0x8b: {  	[hbm:s25], [sflag:s29] =	dma.local [spmem:s19], $0x800  }
0x8c: {  	_ =	swait.ge [sflag:s4], $0x4000  }
0x8d: {  	[sflag:s4] =	ssyncset.done $0x0  }
0x8e: {  	s25 =	rddreg [dreg:$0x18];
	[sflag:s4] =	ssyncadd.s32 $0xFFFFC000  }
0x8f: {  	[tilespmem:s2], [sflag:$0x1] =	stream.linear.gather [hbm4b:s25+s2], $0x4000, $0x38;
	[tilespmem:$0x18000] =	vst v63  }
0x90: {  	_ =	swait.ge [sflag:s24], $0x4000  }
0x91: {  	[sflag:s24] =	ssyncset.done $0x0  }
0x92: {  	s25 =	rddreg [dreg:$0x19];
	[sflag:s24] =	ssyncadd.s32 $0xFFFFC000  }
0x93: {  	[hbm4b:s25+s2] =	stream.linear.scatter [tilespmem:s22], [sflag:$0x5], $0x4000, $0x38;
	[tilespmem:$0x18000] =	vst v63  }
0x94: {  	_ =	swait.ge [sflag:s3], $0x800  }
0x95: {  	[sflag:s3] =	ssyncset.done $0x0  }
0x96: {  	s25 =	rddreg [dreg:$0x1a];
	[sflag:s3] =	ssyncadd.s32 $0xFFFFF800  }
0x97: {  	[spmem:s19], [sflag:s7] =	dma.local [hbm:s25], $0x800  }
0x98: {  	_ =	swait.ge [sflag:s23], $0x800  }
0x99: {  	[sflag:s23] =	ssyncset.done $0x0  }
0x9a: {  	s25 =	rddreg [dreg:$0x1b];
	[sflag:s23] =	ssyncadd.s32 $0xFFFFF800  }
0x9b: {  	[hbm:s25], [sflag:s30] =	dma.local [spmem:s18], $0x800  }
0x9c: {  	_ =	swait.ge [sflag:s13], $0x4000  }
0x9d: {  	[sflag:s13] =	ssyncset.done $0x0  }
0x9e: {  	s25 =	rddreg [dreg:$0x1c];
	[sflag:s13] =	ssyncadd.s32 $0xFFFFC000  }
0x9f: {  	[tilespmem:s22], [sflag:$0x2] =	stream.linear.gather [hbm4b:s25+s2], $0x4000, $0x38;
	[tilespmem:$0x18000] =	vst v63  }
0xa0: {  	_ =	swait.ge [sflag:s21], $0x4000  }
0xa1: {  	[sflag:s21] =	ssyncset.done $0x0  }
0xa2: {  	s25 =	rddreg [dreg:$0x1d];
	[sflag:s21] =	ssyncadd.s32 $0xFFFFC000  }
0xa3: {  	[hbm4b:s25+s2] =	stream.linear.scatter [tilespmem:s17], [sflag:$0x6], $0x4000, $0x38;
	[tilespmem:$0x18000] =	vst v63  }
0xa4: {  	_ =	swait.ge [sflag:s11], $0x800  }
0xa5: {  	[sflag:s11] =	ssyncset.done $0x0  }
0xa6: {  	s25 =	rddreg [dreg:$0x1e];
	[sflag:s11] =	ssyncadd.s32 $0xFFFFF800  }
0xa7: {  	[spmem:s18], [sflag:s26] =	dma.local [hbm:s25], $0x800  }
0xa8: {  	_ =	swait.ge [sflag:s20], $0x800  }
0xa9: {  	[sflag:s20] =	ssyncset.done $0x0  }
0xaa: {  	s25 =	rddreg [dreg:$0x1f];
	[sflag:s20] =	ssyncadd.s32 $0xFFFFF800  }
0xab: {  	[hbm:s25], [sflag:s31] =	dma.local [spmem:s16], $0x800  }
0xac: {  	_ =	swait.ge [sflag:s9], $0x4000  }
0xad: {  	s25 =	sld [smem:$0x7DE]  }
0xae: {  	[sflag:s9] =	ssyncset.done $0x0  }
0xaf: {  	[sflag:s9] =	ssyncadd.s32 $0xFFFFC000  }
0xb0: {  	[tilespmem:s17], [sflag:$0x3] =	stream.linear.gather [hbm4b:s25+s2], $0x4000, $0x38;
	[tilespmem:$0x18000] =	vst v63  }
0xb1: {  	_ =	swait.ge [sflag:s15], $0x4000  }
0xb2: {  	s25 =	sld [smem:$0x7DF]  }
0xb3: {  	[sflag:s15] =	ssyncset.done $0x0  }
0xb4: {  	[sflag:s15] =	ssyncadd.s32 $0xFFFFC000  }
0xb5: {  	[hbm4b:s25+s2] =	stream.linear.scatter [tilespmem:s2], [sflag:$0x4], $0x4000, $0x38;
	[tilespmem:$0x18000] =	vst v63  }
0xb6: {  	_ =	swait.ge [sflag:s14], $0x800  }
0xb7: {  	s25 =	sld [smem:$0x7E0]  }
0xb8: {  	[sflag:s14] =	ssyncset.done $0x0  }
0xb9: {  	[sflag:s14] =	ssyncadd.s32 $0xFFFFF800  }
0xba: {  	[spmem:s16], [sflag:s28] =	dma.local [hbm:s25], $0x800  }
0xbb: {  	_ =	swait.ge [sflag:s10], $0x800  }
0xbc: {  	s25 =	sld [smem:$0x7E1]  }
0xbd: {  	[sflag:s10] =	ssyncset.done $0x0  }
0xbe: {  	[sflag:s10] =	ssyncadd.s32 $0xFFFFF800  }
0xbf: {  	[hbm:s25], [sflag:s29] =	dma.local [spmem:s19], $0x800  }
0xc0: {  	_ =	swait.ge [sflag:s4], $0x4000  }
0xc1: {  	s25 =	sld [smem:$0x7E2]  }
0xc2: {  	[sflag:s4] =	ssyncset.done $0x0  }
0xc3: {  	[sflag:s4] =	ssyncadd.s32 $0xFFFFC000  }
0xc4: {  	[tilespmem:s2], [sflag:$0x1] =	stream.linear.gather [hbm4b:s25+s2], $0x4000, $0x38;
	[tilespmem:$0x18000] =	vst v63  }
0xc5: {  	_ =	swait.ge [sflag:s24], $0x4000  }
0xc6: {  	s25 =	sld [smem:$0x7E3]  }
0xc7: {  	[sflag:s24] =	ssyncset.done $0x0  }
0xc8: {  	[sflag:s24] =	ssyncadd.s32 $0xFFFFC000  }
0xc9: {  	[hbm4b:s25+s2] =	stream.linear.scatter [tilespmem:s22], [sflag:$0x5], $0x4000, $0x38;
	[tilespmem:$0x18000] =	vst v63  }
0xca: {  	_ =	swait.ge [sflag:s3], $0x800  }
0xcb: {  	s25 =	sld [smem:$0x7E4]  }
0xcc: {  	[sflag:s3] =	ssyncset.done $0x0  }
0xcd: {  	[sflag:s3] =	ssyncadd.s32 $0xFFFFF800  }
0xce: {  	[spmem:s19], [sflag:s7] =	dma.local [hbm:s25], $0x800  }
0xcf: {  	_ =	swait.ge [sflag:s23], $0x800  }
0xd0: {  	s25 =	sld [smem:$0x7E5]  }
0xd1: {  	[sflag:s23] =	ssyncset.done $0x0  }
0xd2: {  	[sflag:s23] =	ssyncadd.s32 $0xFFFFF800  }
0xd3: {  	[hbm:s25], [sflag:s30] =	dma.local [spmem:s18], $0x800  }
0xd4: {  	_ =	swait.ge [sflag:s13], $0x4000  }
0xd5: {  	s25 =	sld [smem:$0x7E6]  }
0xd6: {  	[sflag:s13] =	ssyncset.done $0x0  }
0xd7: {  	[sflag:s13] =	ssyncadd.s32 $0xFFFFC000  }
0xd8: {  	[tilespmem:s22], [sflag:$0x2] =	stream.linear.gather [hbm4b:s25+s2], $0x4000, $0x38;
	[tilespmem:$0x18000] =	vst v63  }
0xd9: {  	_ =	swait.ge [sflag:s21], $0x4000  }
0xda: {  	s25 =	sld [smem:$0x7E7]  }
0xdb: {  	[sflag:s21] =	ssyncset.done $0x0  }
0xdc: {  	[sflag:s21] =	ssyncadd.s32 $0xFFFFC000  }
0xdd: {  	[hbm4b:s25+s2] =	stream.linear.scatter [tilespmem:s17], [sflag:$0x6], $0x4000, $0x38;
	[tilespmem:$0x18000] =	vst v63  }
0xde: {  	_ =	swait.ge [sflag:s11], $0x800  }
0xdf: {  	s25 =	sld [smem:$0x7E8]  }
0xe0: {  	[sflag:s11] =	ssyncset.done $0x0  }
0xe1: {  	[sflag:s11] =	ssyncadd.s32 $0xFFFFF800  }
0xe2: {  	[spmem:s18], [sflag:s26] =	dma.local [hbm:s25], $0x800  }
0xe3: {  	_ =	swait.ge [sflag:s20], $0x800  }
0xe4: {  	s25 =	sld [smem:$0x7E9]  }
0xe5: {  	[sflag:s20] =	ssyncset.done $0x0  }
0xe6: {  	[sflag:s20] =	ssyncadd.s32 $0xFFFFF800  }
0xe7: {  	[hbm:s25], [sflag:s31] =	dma.local [spmem:s16], $0x800  }
0xe8: {  	_ =	swait.ge [sflag:s9], $0x4000  }
0xe9: {  	s25 =	sld [smem:$0x7EA]  }
0xea: {  	[sflag:s9] =	ssyncset.done $0x0  }
0xeb: {  	[sflag:s9] =	ssyncadd.s32 $0xFFFFC000  }
0xec: {  	[tilespmem:s17], [sflag:$0x3] =	stream.linear.gather [hbm4b:s25+s2], $0x4000, $0x38;
	[tilespmem:$0x18000] =	vst v63  }
0xed: {  	_ =	swait.ge [sflag:s15], $0x4000  }
0xee: {  	s25 =	sld [smem:$0x7EB]  }
0xef: {  	[sflag:s15] =	ssyncset.done $0x0  }
0xf0: {  	[sflag:s15] =	ssyncadd.s32 $0xFFFFC000  }
0xf1: {  	[hbm4b:s25+s2] =	stream.linear.scatter [tilespmem:s2], [sflag:$0x4], $0x4000, $0x38;
	[tilespmem:$0x18000] =	vst v63  }
0xf2: {  	_ =	swait.ge [sflag:s14], $0x800  }
0xf3: {  	s25 =	sld [smem:$0x7EC]  }
0xf4: {  	[sflag:s14] =	ssyncset.done $0x0  }
0xf5: {  	[sflag:s14] =	ssyncadd.s32 $0xFFFFF800  }
0xf6: {  	[spmem:s16], [sflag:s28] =	dma.local [hbm:s25], $0x800  }
0xf7: {  	_ =	swait.ge [sflag:s10], $0x800  }
0xf8: {  	s25 =	sld [smem:$0x7ED]  }
0xf9: {  	[sflag:s10] =	ssyncset.done $0x0  }
0xfa: {  	[sflag:s10] =	ssyncadd.s32 $0xFFFFF800  }
0xfb: {  	[hbm:s25], [sflag:s29] =	dma.local [spmem:s19], $0x800  }
0xfc: {  	_ =	swait.ge [sflag:s4], $0x4000  }
0xfd: {  	s25 =	sld [smem:$0x7EE]  }
0xfe: {  	[sflag:s4] =	ssyncset.done $0x0  }
0xff: {  	[sflag:s4] =	ssyncadd.s32 $0xFFFFC000  }
0x100: {  	[tilespmem:s2], [sflag:$0x1] =	stream.linear.gather [hbm4b:s25+s2], $0x4000, $0x38;
	[tilespmem:$0x18000] =	vst v63  }
0x101: {  	_ =	swait.ge [sflag:s24], $0x4000  }
0x102: {  	s25 =	sld [smem:$0x7EF]  }
0x103: {  	[sflag:s24] =	ssyncset.done $0x0  }
0x104: {  	[sflag:s24] =	ssyncadd.s32 $0xFFFFC000  }
0x105: {  	[hbm4b:s25+s2] =	stream.linear.scatter [tilespmem:s22], [sflag:$0x5], $0x4000, $0x38;
	[tilespmem:$0x18000] =	vst v63  }
0x106: {  	_ =	swait.ge [sflag:s3], $0x800  }
0x107: {  	s25 =	sld [smem:$0x7F0]  }
0x108: {  	[sflag:s3] =	ssyncset.done $0x0  }
0x109: {  	[sflag:s3] =	ssyncadd.s32 $0xFFFFF800  }
0x10a: {  	[spmem:s19], [sflag:s7] =	dma.local [hbm:s25], $0x800  }
0x10b: {  	_ =	swait.ge [sflag:s23], $0x800  }
0x10c: {  	s25 =	sld [smem:$0x7F1]  }
0x10d: {  	[sflag:s23] =	ssyncset.done $0x0  }
0x10e: {  	[sflag:s23] =	ssyncadd.s32 $0xFFFFF800  }
0x10f: {  	[hbm:s25], [sflag:s30] =	dma.local [spmem:s18], $0x800  }
0x110: {  	_ =	swait.ge [sflag:s13], $0x4000  }
0x111: {  	s25 =	sld [smem:$0x7F2]  }
0x112: {  	[sflag:s13] =	ssyncset.done $0x0  }
0x113: {  	[sflag:s13] =	ssyncadd.s32 $0xFFFFC000  }
0x114: {  	[tilespmem:s22], [sflag:$0x2] =	stream.linear.gather [hbm4b:s25+s2], $0x4000, $0x38;
	[tilespmem:$0x18000] =	vst v63  }
0x115: {  	_ =	swait.ge [sflag:s21], $0x4000  }
0x116: {  	s25 =	sld [smem:$0x7F3]  }
0x117: {  	[sflag:s21] =	ssyncset.done $0x0  }
0x118: {  	[sflag:s21] =	ssyncadd.s32 $0xFFFFC000  }
0x119: {  	[hbm4b:s25+s2] =	stream.linear.scatter [tilespmem:s17], [sflag:$0x6], $0x4000, $0x38;
	[tilespmem:$0x18000] =	vst v63  }
0x11a: {  	_ =	swait.ge [sflag:s11], $0x800  }
0x11b: {  	s25 =	sld [smem:$0x7F4]  }
0x11c: {  	[sflag:s11] =	ssyncset.done $0x0  }
0x11d: {  	[sflag:s11] =	ssyncadd.s32 $0xFFFFF800  }
0x11e: {  	[spmem:s18], [sflag:s26] =	dma.local [hbm:s25], $0x800  }
0x11f: {  	_ =	swait.ge [sflag:s20], $0x800  }
0x120: {  	s25 =	sld [smem:$0x7F5]  }
0x121: {  	[sflag:s20] =	ssyncset.done $0x0  }
0x122: {  	[sflag:s20] =	ssyncadd.s32 $0xFFFFF800  }
0x123: {  	[hbm:s25], [sflag:s31] =	dma.local [spmem:s16], $0x800  }
0x124: {  	_ =	swait.ge [sflag:s9], $0x4000  }
0x125: {  	s25 =	sld [smem:$0x7F6]  }
0x126: {  	[sflag:s9] =	ssyncset.done $0x0  }
0x127: {  	[sflag:s9] =	ssyncadd.s32 $0xFFFFC000  }
0x128: {  	[tilespmem:s17], [sflag:$0x3] =	stream.linear.gather [hbm4b:s25+s2], $0x4000, $0x38;
	[tilespmem:$0x18000] =	vst v63  }
0x129: {  	_ =	swait.ge [sflag:s15], $0x4000  }
0x12a: {  	s25 =	sld [smem:$0x7F7]  }
0x12b: {  	[sflag:s15] =	ssyncset.done $0x0  }
0x12c: {  	[sflag:s15] =	ssyncadd.s32 $0xFFFFC000  }
0x12d: {  	[hbm4b:s25+s2] =	stream.linear.scatter [tilespmem:s2], [sflag:$0x4], $0x4000, $0x38;
	[tilespmem:$0x18000] =	vst v63  }
0x12e: {  	_ =	swait.ge [sflag:s14], $0x800  }
0x12f: {  	s25 =	sld [smem:$0x7F8]  }
0x130: {  	[sflag:s14] =	ssyncset.done $0x0  }
0x131: {  	[sflag:s14] =	ssyncadd.s32 $0xFFFFF800  }
0x132: {  	[spmem:s16], [sflag:s28] =	dma.local [hbm:s25], $0x800  }
0x133: {  	_ =	swait.ge [sflag:s10], $0x800  }
0x134: {  	s25 =	sld [smem:$0x7F9]  }
0x135: {  	[sflag:s10] =	ssyncset.done $0x0  }
0x136: {  	[sflag:s10] =	ssyncadd.s32 $0xFFFFF800  }
0x137: {  	[hbm:s25], [sflag:s29] =	dma.local [spmem:s19], $0x800  }
0x138: {  	_ =	swait.ge [sflag:s4], $0x4000  }
0x139: {  	s25 =	sld [smem:$0x7FA]  }
0x13a: {  	[sflag:s4] =	ssyncset.done $0x0  }
0x13b: {  	[sflag:s4] =	ssyncadd.s32 $0xFFFFC000  }
0x13c: {  	[tilespmem:s2], [sflag:$0x1] =	stream.linear.gather [hbm4b:s25+s2], $0x4000, $0x38;
	[tilespmem:$0x18000] =	vst v63  }
0x13d: {  	_ =	swait.ge [sflag:s24], $0x4000  }
0x13e: {  	s25 =	sld [smem:$0x7FB]  }
0x13f: {  	[sflag:s24] =	ssyncset.done $0x0  }
0x140: {  	[sflag:s24] =	ssyncadd.s32 $0xFFFFC000  }
0x141: {  	[hbm4b:s25+s2] =	stream.linear.scatter [tilespmem:s22], [sflag:$0x5], $0x4000, $0x38;
	[tilespmem:$0x18000] =	vst v63  }
0x142: {  	_ =	swait.ge [sflag:s3], $0x800  }
0x143: {  	s25 =	sld [smem:$0x7FC]  }
0x144: {  	[sflag:s3] =	ssyncset.done $0x0  }
0x145: {  	[sflag:s3] =	ssyncadd.s32 $0xFFFFF800  }
0x146: {  	[spmem:s19], [sflag:s7] =	dma.local [hbm:s25], $0x800  }
0x147: {  	_ =	swait.ge [sflag:s23], $0x800  }
0x148: {  	s25 =	sld [smem:$0x7FD]  }
0x149: {  	[sflag:s23] =	ssyncset.done $0x0  }
0x14a: {  	[sflag:s23] =	ssyncadd.s32 $0xFFFFF800  }
0x14b: {  	[hbm:s25], [sflag:s30] =	dma.local [spmem:s18], $0x800  }
0x14c: {  	_ =	swait.ge [sflag:s21], $0x4000  }
0x14d: {  	[sflag:s21] =	ssyncset.done $0x0  }
0x14e: {  	[sflag:s21] =	ssyncadd.s32 $0xFFFFC000  }
0x14f: {  	[hbm4b:s12+s2] =	stream.linear.scatter [tilespmem:s17], [sflag:$0x6], $0x4000, $0x38;
	[tilespmem:$0x18000] =	vst v63  }
0x150: {  	_ =	swait.ge [sflag:s20], $0x800  }
0x151: {  	[sflag:s20] =	ssyncset.done $0x0  }
0x152: {  	[sflag:s20] =	ssyncadd.s32 $0xFFFFF800  }
0x153: {  	[hbm:s8], [sflag:s31] =	dma.local [spmem:s16], $0x800  }
0x154: {  	_ =	swait.ge [sflag:s15], $0x4000  }
0x155: {  	[sflag:s15] =	ssyncset.done $0x0  }
0x156: {  	[sflag:s15] =	ssyncadd.s32 $0xFFFFC000  }
0x157: {  	[hbm4b:s6+s2] =	stream.linear.scatter [tilespmem:s2], [sflag:$0x4], $0x4000, $0x38;
	[tilespmem:$0x18000] =	vst v63  }
0x158: {  	_ =	swait.ge [sflag:s10], $0x800  }
0x159: {  	[sflag:s10] =	ssyncset.done $0x0  }
0x15a: {  	[sflag:s10] =	ssyncadd.s32 $0xFFFFF800  }
0x15b: {  	[hbm:s5], [sflag:s29] =	dma.local [spmem:s19], $0x800  }
0x15c: {  	_ =	swait.ge [sflag:s13], $0x4000  }
0x15d: {  	[sflag:s13] =	ssyncset.done $0x0  }
0x15e: {  	[sflag:s13] =	ssyncadd.s32 $0xFFFFC000  }
0x15f: {  	_ =	swait.ge [sflag:s11], $0x800  }
0x160: {  	[sflag:s11] =	ssyncset.done $0x0  }
0x161: {  	[sflag:s11] =	ssyncadd.s32 $0xFFFFF800  }
0x162: {  	_ =	swait.ge [sflag:s9], $0x4000  }
0x163: {  	[sflag:s9] =	ssyncset.done $0x0  }
0x164: {  	[sflag:s9] =	ssyncadd.s32 $0xFFFFC000  }
0x165: {  	_ =	swait.ge [sflag:s14], $0x800  }
0x166: {  	[sflag:s14] =	ssyncset.done $0x0  }
0x167: {  	p1 =	sne.s32 s0, $0x1;
	[sflag:s14] =	ssyncadd.s32 $0xFFFFF800  }
.Ltmp1:
0x168: {  	_ =	swait.ge [sflag:s4], $0x4000;
	(pc) =	sbr.rel @!p1 .LBB2_2-.Ltmp1, $4  }
0x169: {  	[sflag:s4] =	ssyncset.done $0x0  }
0x16a: {  	[sflag:s4] =	ssyncadd.s32 $0xFFFFC000  }
0x16b: {  	s0 =	sadd.s32 $0xFFFFFFFF, s0;
	_ =	swait.ge [sflag:s3], $0x800  }
0x16c: {  	p0 =	por $0x1, $0x1;
	s1 =	rddreg [dreg:$0x4];
	[sflag:s3] =	ssyncset.done $0x0  }
.LBB2_3:
0x16d: {  	s25 =	rddreg [dreg:$0x5];
	[sflag:s3] =	ssyncadd.s32 $0xFFFFF800  }
0x16e: {  	[tilespmem:s2], [sflag:$0x1] =	stream.linear.gather [hbm4b:s1+s2], $0x4000, $0x38;
	[tilespmem:$0x18000] =	vst v63  }
0x16f: {  	[spmem:s19], [sflag:s7] =	dma.local [hbm:s25], $0x800  }
0x170: {  	s1 =	rddreg [dreg:$0x6]  }
0x171: {  	s25 =	rddreg [dreg:$0x7]  }
0x172: {  	[tilespmem:s22], [sflag:$0x2] =	stream.linear.gather [hbm4b:s1+s2], $0x4000, $0x38;
	[tilespmem:$0x18000] =	vst v63  }
0x173: {  	[spmem:s18], [sflag:s26] =	dma.local [hbm:s25], $0x800  }
0x174: {  	s25 =	rddreg [dreg:$0x8]  }
0x175: {  	[tilespmem:s17], [sflag:$0x3] =	stream.linear.gather [hbm4b:s25+s2], $0x4000, $0x38;
	[tilespmem:$0x18000] =	vst v63  }
0x176: {  	_ =	swait.ge [sflag:s15], $0x4000  }
0x177: {  	s1 =	rddreg [dreg:$0x9];
	[sflag:s15] =	ssyncset.done $0x0  }
0x178: {  	s25 =	rddreg [dreg:$0xa];
	[sflag:s15] =	ssyncadd.s32 $0xFFFFC000  }
0x179: {  	[hbm4b:s1+s2] =	stream.linear.scatter [tilespmem:s2], [sflag:$0x4], $0x4000, $0x38;
	[tilespmem:$0x18000] =	vst v63  }
0x17a: {  	[spmem:s16], [sflag:s28] =	dma.local [hbm:s25], $0x800  }
0x17b: {  	_ =	swait.ge [sflag:s10], $0x800  }
0x17c: {  	[sflag:s10] =	ssyncset.done $0x0  }
0x17d: {  	s25 =	rddreg [dreg:$0xb];
	[sflag:s10] =	ssyncadd.s32 $0xFFFFF800  }
0x17e: {  	[hbm:s25], [sflag:s29] =	dma.local [spmem:s19], $0x800  }
0x17f: {  	_ =	swait.ge [sflag:s4], $0x4000  }
0x180: {  	[sflag:s4] =	ssyncset.done $0x0  }
0x181: {  	s25 =	rddreg [dreg:$0xc];
	[sflag:s4] =	ssyncadd.s32 $0xFFFFC000  }
0x182: {  	[tilespmem:s2], [sflag:$0x1] =	stream.linear.gather [hbm4b:s25+s2], $0x4000, $0x38;
	[tilespmem:$0x18000] =	vst v63  }
0x183: {  	_ =	swait.ge [sflag:s24], $0x4000  }
0x184: {  	[sflag:s24] =	ssyncset.done $0x0  }
0x185: {  	s25 =	rddreg [dreg:$0xd];
	[sflag:s24] =	ssyncadd.s32 $0xFFFFC000  }
0x186: {  	[hbm4b:s25+s2] =	stream.linear.scatter [tilespmem:s22], [sflag:$0x5], $0x4000, $0x38;
	[tilespmem:$0x18000] =	vst v63  }
0x187: {  	_ =	swait.ge [sflag:s3], $0x800  }
0x188: {  	[sflag:s3] =	ssyncset.done $0x0  }
0x189: {  	s25 =	rddreg [dreg:$0xe];
	[sflag:s3] =	ssyncadd.s32 $0xFFFFF800  }
0x18a: {  	[spmem:s19], [sflag:s7] =	dma.local [hbm:s25], $0x800  }
0x18b: {  	_ =	swait.ge [sflag:s23], $0x800  }
0x18c: {  	[sflag:s23] =	ssyncset.done $0x0  }
0x18d: {  	s25 =	rddreg [dreg:$0xf];
	[sflag:s23] =	ssyncadd.s32 $0xFFFFF800  }
0x18e: {  	[hbm:s25], [sflag:s30] =	dma.local [spmem:s18], $0x800  }
0x18f: {  	_ =	swait.ge [sflag:s13], $0x4000  }
0x190: {  	[sflag:s13] =	ssyncset.done $0x0  }
0x191: {  	s25 =	rddreg [dreg:$0x10];
	[sflag:s13] =	ssyncadd.s32 $0xFFFFC000  }
0x192: {  	[tilespmem:s22], [sflag:$0x2] =	stream.linear.gather [hbm4b:s25+s2], $0x4000, $0x38;
	[tilespmem:$0x18000] =	vst v63  }
0x193: {  	_ =	swait.ge [sflag:s21], $0x4000  }
0x194: {  	[sflag:s21] =	ssyncset.done $0x0  }
0x195: {  	s25 =	rddreg [dreg:$0x11];
	[sflag:s21] =	ssyncadd.s32 $0xFFFFC000  }
0x196: {  	[hbm4b:s25+s2] =	stream.linear.scatter [tilespmem:s17], [sflag:$0x6], $0x4000, $0x38;
	[tilespmem:$0x18000] =	vst v63  }
0x197: {  	_ =	swait.ge [sflag:s11], $0x800  }
0x198: {  	[sflag:s11] =	ssyncset.done $0x0  }
0x199: {  	s25 =	rddreg [dreg:$0x12];
	[sflag:s11] =	ssyncadd.s32 $0xFFFFF800  }
0x19a: {  	[spmem:s18], [sflag:s26] =	dma.local [hbm:s25], $0x800  }
0x19b: {  	_ =	swait.ge [sflag:s20], $0x800  }
0x19c: {  	[sflag:s20] =	ssyncset.done $0x0  }
0x19d: {  	s25 =	rddreg [dreg:$0x13];
	[sflag:s20] =	ssyncadd.s32 $0xFFFFF800  }
0x19e: {  	[hbm:s25], [sflag:s31] =	dma.local [spmem:s16], $0x800  }
0x19f: {  	_ =	swait.ge [sflag:s9], $0x4000  }
0x1a0: {  	[sflag:s9] =	ssyncset.done $0x0  }
0x1a1: {  	s25 =	rddreg [dreg:$0x14];
	[sflag:s9] =	ssyncadd.s32 $0xFFFFC000  }
0x1a2: {  	[tilespmem:s17], [sflag:$0x3] =	stream.linear.gather [hbm4b:s25+s2], $0x4000, $0x38;
	[tilespmem:$0x18000] =	vst v63  }
0x1a3: {  	_ =	swait.ge [sflag:s15], $0x4000  }
0x1a4: {  	[sflag:s15] =	ssyncset.done $0x0  }
0x1a5: {  	s25 =	rddreg [dreg:$0x15];
	[sflag:s15] =	ssyncadd.s32 $0xFFFFC000  }
0x1a6: {  	[hbm4b:s25+s2] =	stream.linear.scatter [tilespmem:s2], [sflag:$0x4], $0x4000, $0x38;
	[tilespmem:$0x18000] =	vst v63  }
0x1a7: {  	_ =	swait.ge [sflag:s14], $0x800  }
0x1a8: {  	[sflag:s14] =	ssyncset.done $0x0  }
0x1a9: {  	s25 =	rddreg [dreg:$0x16];
	[sflag:s14] =	ssyncadd.s32 $0xFFFFF800  }
0x1aa: {  	[spmem:s16], [sflag:s28] =	dma.local [hbm:s25], $0x800  }
0x1ab: {  	_ =	swait.ge [sflag:s10], $0x800  }
0x1ac: {  	[sflag:s10] =	ssyncset.done $0x0  }
0x1ad: {  	s25 =	rddreg [dreg:$0x17];
	[sflag:s10] =	ssyncadd.s32 $0xFFFFF800  }
0x1ae: {  	[hbm:s25], [sflag:s29] =	dma.local [spmem:s19], $0x800  }
0x1af: {  	_ =	swait.ge [sflag:s4], $0x4000  }
0x1b0: {  	[sflag:s4] =	ssyncset.done $0x0  }
0x1b1: {  	s25 =	rddreg [dreg:$0x18];
	[sflag:s4] =	ssyncadd.s32 $0xFFFFC000  }
0x1b2: {  	[tilespmem:s2], [sflag:$0x1] =	stream.linear.gather [hbm4b:s25+s2], $0x4000, $0x38;
	[tilespmem:$0x18000] =	vst v63  }
0x1b3: {  	_ =	swait.ge [sflag:s24], $0x4000  }
0x1b4: {  	[sflag:s24] =	ssyncset.done $0x0  }
0x1b5: {  	s25 =	rddreg [dreg:$0x19];
	[sflag:s24] =	ssyncadd.s32 $0xFFFFC000  }
0x1b6: {  	[hbm4b:s25+s2] =	stream.linear.scatter [tilespmem:s22], [sflag:$0x5], $0x4000, $0x38;
	[tilespmem:$0x18000] =	vst v63  }
0x1b7: {  	_ =	swait.ge [sflag:s3], $0x800  }
0x1b8: {  	[sflag:s3] =	ssyncset.done $0x0  }
0x1b9: {  	s25 =	rddreg [dreg:$0x1a];
	[sflag:s3] =	ssyncadd.s32 $0xFFFFF800  }
0x1ba: {  	[spmem:s19], [sflag:s7] =	dma.local [hbm:s25], $0x800  }
0x1bb: {  	_ =	swait.ge [sflag:s23], $0x800  }
0x1bc: {  	[sflag:s23] =	ssyncset.done $0x0  }
0x1bd: {  	s25 =	rddreg [dreg:$0x1b];
	[sflag:s23] =	ssyncadd.s32 $0xFFFFF800  }
0x1be: {  	[hbm:s25], [sflag:s30] =	dma.local [spmem:s18], $0x800  }
0x1bf: {  	_ =	swait.ge [sflag:s13], $0x4000  }
0x1c0: {  	[sflag:s13] =	ssyncset.done $0x0  }
0x1c1: {  	s25 =	rddreg [dreg:$0x1c];
	[sflag:s13] =	ssyncadd.s32 $0xFFFFC000  }
0x1c2: {  	[tilespmem:s22], [sflag:$0x2] =	stream.linear.gather [hbm4b:s25+s2], $0x4000, $0x38;
	[tilespmem:$0x18000] =	vst v63  }
0x1c3: {  	_ =	swait.ge [sflag:s21], $0x4000  }
0x1c4: {  	[sflag:s21] =	ssyncset.done $0x0  }
0x1c5: {  	s25 =	rddreg [dreg:$0x1d];
	[sflag:s21] =	ssyncadd.s32 $0xFFFFC000  }
0x1c6: {  	[hbm4b:s25+s2] =	stream.linear.scatter [tilespmem:s17], [sflag:$0x6], $0x4000, $0x38;
	[tilespmem:$0x18000] =	vst v63  }
0x1c7: {  	_ =	swait.ge [sflag:s11], $0x800  }
0x1c8: {  	[sflag:s11] =	ssyncset.done $0x0  }
0x1c9: {  	s25 =	rddreg [dreg:$0x1e];
	[sflag:s11] =	ssyncadd.s32 $0xFFFFF800  }
0x1ca: {  	[spmem:s18], [sflag:s26] =	dma.local [hbm:s25], $0x800  }
0x1cb: {  	_ =	swait.ge [sflag:s20], $0x800  }
0x1cc: {  	[sflag:s20] =	ssyncset.done $0x0  }
0x1cd: {  	s25 =	rddreg [dreg:$0x1f];
	[sflag:s20] =	ssyncadd.s32 $0xFFFFF800  }
0x1ce: {  	[hbm:s25], [sflag:s31] =	dma.local [spmem:s16], $0x800  }
0x1cf: {  	_ =	swait.ge [sflag:s9], $0x4000  }
0x1d0: {  	s25 =	sld [smem:$0x7DE]  }
0x1d1: {  	[sflag:s9] =	ssyncset.done $0x0  }
0x1d2: {  	[sflag:s9] =	ssyncadd.s32 $0xFFFFC000  }
0x1d3: {  	[tilespmem:s17], [sflag:$0x3] =	stream.linear.gather [hbm4b:s25+s2], $0x4000, $0x38;
	[tilespmem:$0x18000] =	vst v63  }
0x1d4: {  	_ =	swait.ge [sflag:s15], $0x4000  }
0x1d5: {  	s25 =	sld [smem:$0x7DF]  }
0x1d6: {  	[sflag:s15] =	ssyncset.done $0x0  }
0x1d7: {  	[sflag:s15] =	ssyncadd.s32 $0xFFFFC000  }
0x1d8: {  	[hbm4b:s25+s2] =	stream.linear.scatter [tilespmem:s2], [sflag:$0x4], $0x4000, $0x38;
	[tilespmem:$0x18000] =	vst v63  }
0x1d9: {  	_ =	swait.ge [sflag:s14], $0x800  }
0x1da: {  	s25 =	sld [smem:$0x7E0]  }
0x1db: {  	[sflag:s14] =	ssyncset.done $0x0  }
0x1dc: {  	[sflag:s14] =	ssyncadd.s32 $0xFFFFF800  }
0x1dd: {  	[spmem:s16], [sflag:s28] =	dma.local [hbm:s25], $0x800  }
0x1de: {  	_ =	swait.ge [sflag:s10], $0x800  }
0x1df: {  	s25 =	sld [smem:$0x7E1]  }
0x1e0: {  	[sflag:s10] =	ssyncset.done $0x0  }
0x1e1: {  	[sflag:s10] =	ssyncadd.s32 $0xFFFFF800  }
0x1e2: {  	[hbm:s25], [sflag:s29] =	dma.local [spmem:s19], $0x800  }
0x1e3: {  	_ =	swait.ge [sflag:s4], $0x4000  }
0x1e4: {  	s25 =	sld [smem:$0x7E2]  }
0x1e5: {  	[sflag:s4] =	ssyncset.done $0x0  }
0x1e6: {  	[sflag:s4] =	ssyncadd.s32 $0xFFFFC000  }
0x1e7: {  	[tilespmem:s2], [sflag:$0x1] =	stream.linear.gather [hbm4b:s25+s2], $0x4000, $0x38;
	[tilespmem:$0x18000] =	vst v63  }
0x1e8: {  	_ =	swait.ge [sflag:s24], $0x4000  }
0x1e9: {  	s25 =	sld [smem:$0x7E3]  }
0x1ea: {  	[sflag:s24] =	ssyncset.done $0x0  }
0x1eb: {  	[sflag:s24] =	ssyncadd.s32 $0xFFFFC000  }
0x1ec: {  	[hbm4b:s25+s2] =	stream.linear.scatter [tilespmem:s22], [sflag:$0x5], $0x4000, $0x38;
	[tilespmem:$0x18000] =	vst v63  }
0x1ed: {  	_ =	swait.ge [sflag:s3], $0x800  }
0x1ee: {  	s25 =	sld [smem:$0x7E4]  }
0x1ef: {  	[sflag:s3] =	ssyncset.done $0x0  }
0x1f0: {  	[sflag:s3] =	ssyncadd.s32 $0xFFFFF800  }
0x1f1: {  	[spmem:s19], [sflag:s7] =	dma.local [hbm:s25], $0x800  }
0x1f2: {  	_ =	swait.ge [sflag:s23], $0x800  }
0x1f3: {  	s25 =	sld [smem:$0x7E5]  }
0x1f4: {  	[sflag:s23] =	ssyncset.done $0x0  }
0x1f5: {  	[sflag:s23] =	ssyncadd.s32 $0xFFFFF800  }
0x1f6: {  	[hbm:s25], [sflag:s30] =	dma.local [spmem:s18], $0x800  }
0x1f7: {  	_ =	swait.ge [sflag:s13], $0x4000  }
0x1f8: {  	s25 =	sld [smem:$0x7E6]  }
0x1f9: {  	[sflag:s13] =	ssyncset.done $0x0  }
0x1fa: {  	[sflag:s13] =	ssyncadd.s32 $0xFFFFC000  }
0x1fb: {  	[tilespmem:s22], [sflag:$0x2] =	stream.linear.gather [hbm4b:s25+s2], $0x4000, $0x38;
	[tilespmem:$0x18000] =	vst v63  }
0x1fc: {  	_ =	swait.ge [sflag:s21], $0x4000  }
0x1fd: {  	s25 =	sld [smem:$0x7E7]  }
0x1fe: {  	[sflag:s21] =	ssyncset.done $0x0  }
0x1ff: {  	[sflag:s21] =	ssyncadd.s32 $0xFFFFC000  }
0x200: {  	[hbm4b:s25+s2] =	stream.linear.scatter [tilespmem:s17], [sflag:$0x6], $0x4000, $0x38;
	[tilespmem:$0x18000] =	vst v63  }
0x201: {  	_ =	swait.ge [sflag:s11], $0x800  }
0x202: {  	s25 =	sld [smem:$0x7E8]  }
0x203: {  	[sflag:s11] =	ssyncset.done $0x0  }
0x204: {  	[sflag:s11] =	ssyncadd.s32 $0xFFFFF800  }
0x205: {  	[spmem:s18], [sflag:s26] =	dma.local [hbm:s25], $0x800  }
0x206: {  	_ =	swait.ge [sflag:s20], $0x800  }
0x207: {  	s25 =	sld [smem:$0x7E9]  }
0x208: {  	[sflag:s20] =	ssyncset.done $0x0  }
0x209: {  	[sflag:s20] =	ssyncadd.s32 $0xFFFFF800  }
0x20a: {  	[hbm:s25], [sflag:s31] =	dma.local [spmem:s16], $0x800  }
0x20b: {  	_ =	swait.ge [sflag:s9], $0x4000  }
0x20c: {  	s25 =	sld [smem:$0x7EA]  }
0x20d: {  	[sflag:s9] =	ssyncset.done $0x0  }
0x20e: {  	[sflag:s9] =	ssyncadd.s32 $0xFFFFC000  }
0x20f: {  	[tilespmem:s17], [sflag:$0x3] =	stream.linear.gather [hbm4b:s25+s2], $0x4000, $0x38;
	[tilespmem:$0x18000] =	vst v63  }
0x210: {  	_ =	swait.ge [sflag:s15], $0x4000  }
0x211: {  	s25 =	sld [smem:$0x7EB]  }
0x212: {  	[sflag:s15] =	ssyncset.done $0x0  }
0x213: {  	[sflag:s15] =	ssyncadd.s32 $0xFFFFC000  }
0x214: {  	[hbm4b:s25+s2] =	stream.linear.scatter [tilespmem:s2], [sflag:$0x4], $0x4000, $0x38;
	[tilespmem:$0x18000] =	vst v63  }
0x215: {  	_ =	swait.ge [sflag:s14], $0x800  }
0x216: {  	s25 =	sld [smem:$0x7EC]  }
0x217: {  	[sflag:s14] =	ssyncset.done $0x0  }
0x218: {  	[sflag:s14] =	ssyncadd.s32 $0xFFFFF800  }
0x219: {  	[spmem:s16], [sflag:s28] =	dma.local [hbm:s25], $0x800  }
0x21a: {  	_ =	swait.ge [sflag:s10], $0x800  }
0x21b: {  	s25 =	sld [smem:$0x7ED]  }
0x21c: {  	[sflag:s10] =	ssyncset.done $0x0  }
0x21d: {  	[sflag:s10] =	ssyncadd.s32 $0xFFFFF800  }
0x21e: {  	[hbm:s25], [sflag:s29] =	dma.local [spmem:s19], $0x800  }
0x21f: {  	_ =	swait.ge [sflag:s4], $0x4000  }
0x220: {  	s25 =	sld [smem:$0x7EE]  }
0x221: {  	[sflag:s4] =	ssyncset.done $0x0  }
0x222: {  	[sflag:s4] =	ssyncadd.s32 $0xFFFFC000  }
0x223: {  	[tilespmem:s2], [sflag:$0x1] =	stream.linear.gather [hbm4b:s25+s2], $0x4000, $0x38;
	[tilespmem:$0x18000] =	vst v63  }
0x224: {  	_ =	swait.ge [sflag:s24], $0x4000  }
0x225: {  	s25 =	sld [smem:$0x7EF]  }
0x226: {  	[sflag:s24] =	ssyncset.done $0x0  }
0x227: {  	[sflag:s24] =	ssyncadd.s32 $0xFFFFC000  }
0x228: {  	[hbm4b:s25+s2] =	stream.linear.scatter [tilespmem:s22], [sflag:$0x5], $0x4000, $0x38;
	[tilespmem:$0x18000] =	vst v63  }
0x229: {  	_ =	swait.ge [sflag:s3], $0x800  }
0x22a: {  	s25 =	sld [smem:$0x7F0]  }
0x22b: {  	[sflag:s3] =	ssyncset.done $0x0  }
0x22c: {  	[sflag:s3] =	ssyncadd.s32 $0xFFFFF800  }
0x22d: {  	[spmem:s19], [sflag:s7] =	dma.local [hbm:s25], $0x800  }
0x22e: {  	_ =	swait.ge [sflag:s23], $0x800  }
0x22f: {  	s25 =	sld [smem:$0x7F1]  }
0x230: {  	[sflag:s23] =	ssyncset.done $0x0  }
0x231: {  	[sflag:s23] =	ssyncadd.s32 $0xFFFFF800  }
0x232: {  	[hbm:s25], [sflag:s30] =	dma.local [spmem:s18], $0x800  }
0x233: {  	_ =	swait.ge [sflag:s13], $0x4000  }
0x234: {  	s25 =	sld [smem:$0x7F2]  }
0x235: {  	[sflag:s13] =	ssyncset.done $0x0  }
0x236: {  	[sflag:s13] =	ssyncadd.s32 $0xFFFFC000  }
0x237: {  	[tilespmem:s22], [sflag:$0x2] =	stream.linear.gather [hbm4b:s25+s2], $0x4000, $0x38;
	[tilespmem:$0x18000] =	vst v63  }
0x238: {  	_ =	swait.ge [sflag:s21], $0x4000  }
0x239: {  	s25 =	sld [smem:$0x7F3]  }
0x23a: {  	[sflag:s21] =	ssyncset.done $0x0  }
0x23b: {  	[sflag:s21] =	ssyncadd.s32 $0xFFFFC000  }
0x23c: {  	[hbm4b:s25+s2] =	stream.linear.scatter [tilespmem:s17], [sflag:$0x6], $0x4000, $0x38;
	[tilespmem:$0x18000] =	vst v63  }
0x23d: {  	_ =	swait.ge [sflag:s11], $0x800  }
0x23e: {  	s25 =	sld [smem:$0x7F4]  }
0x23f: {  	[sflag:s11] =	ssyncset.done $0x0  }
0x240: {  	[sflag:s11] =	ssyncadd.s32 $0xFFFFF800  }
0x241: {  	[spmem:s18], [sflag:s26] =	dma.local [hbm:s25], $0x800  }
0x242: {  	_ =	swait.ge [sflag:s20], $0x800  }
0x243: {  	s25 =	sld [smem:$0x7F5]  }
0x244: {  	[sflag:s20] =	ssyncset.done $0x0  }
0x245: {  	[sflag:s20] =	ssyncadd.s32 $0xFFFFF800  }
0x246: {  	[hbm:s25], [sflag:s31] =	dma.local [spmem:s16], $0x800  }
0x247: {  	_ =	swait.ge [sflag:s9], $0x4000  }
0x248: {  	s25 =	sld [smem:$0x7F6]  }
0x249: {  	[sflag:s9] =	ssyncset.done $0x0  }
0x24a: {  	[sflag:s9] =	ssyncadd.s32 $0xFFFFC000  }
0x24b: {  	[tilespmem:s17], [sflag:$0x3] =	stream.linear.gather [hbm4b:s25+s2], $0x4000, $0x38;
	[tilespmem:$0x18000] =	vst v63  }
0x24c: {  	_ =	swait.ge [sflag:s15], $0x4000  }
0x24d: {  	s25 =	sld [smem:$0x7F7]  }
0x24e: {  	[sflag:s15] =	ssyncset.done $0x0  }
0x24f: {  	[sflag:s15] =	ssyncadd.s32 $0xFFFFC000  }
0x250: {  	[hbm4b:s25+s2] =	stream.linear.scatter [tilespmem:s2], [sflag:$0x4], $0x4000, $0x38;
	[tilespmem:$0x18000] =	vst v63  }
0x251: {  	_ =	swait.ge [sflag:s14], $0x800  }
0x252: {  	s25 =	sld [smem:$0x7F8]  }
0x253: {  	[sflag:s14] =	ssyncset.done $0x0  }
0x254: {  	[sflag:s14] =	ssyncadd.s32 $0xFFFFF800  }
0x255: {  	[spmem:s16], [sflag:s28] =	dma.local [hbm:s25], $0x800  }
0x256: {  	_ =	swait.ge [sflag:s10], $0x800  }
0x257: {  	s25 =	sld [smem:$0x7F9]  }
0x258: {  	[sflag:s10] =	ssyncset.done $0x0  }
0x259: {  	[sflag:s10] =	ssyncadd.s32 $0xFFFFF800  }
0x25a: {  	[hbm:s25], [sflag:s29] =	dma.local [spmem:s19], $0x800  }
0x25b: {  	_ =	swait.ge [sflag:s4], $0x4000  }
0x25c: {  	s25 =	sld [smem:$0x7FA]  }
0x25d: {  	[sflag:s4] =	ssyncset.done $0x0  }
0x25e: {  	[sflag:s4] =	ssyncadd.s32 $0xFFFFC000  }
0x25f: {  	[tilespmem:s2], [sflag:$0x1] =	stream.linear.gather [hbm4b:s25+s2], $0x4000, $0x38;
	[tilespmem:$0x18000] =	vst v63  }
0x260: {  	_ =	swait.ge [sflag:s24], $0x4000  }
0x261: {  	s25 =	sld [smem:$0x7FB]  }
0x262: {  	[sflag:s24] =	ssyncset.done $0x0  }
0x263: {  	[sflag:s24] =	ssyncadd.s32 $0xFFFFC000  }
0x264: {  	[hbm4b:s25+s2] =	stream.linear.scatter [tilespmem:s22], [sflag:$0x5], $0x4000, $0x38;
	[tilespmem:$0x18000] =	vst v63  }
0x265: {  	_ =	swait.ge [sflag:s3], $0x800  }
0x266: {  	s25 =	sld [smem:$0x7FC]  }
0x267: {  	[sflag:s3] =	ssyncset.done $0x0  }
0x268: {  	[sflag:s3] =	ssyncadd.s32 $0xFFFFF800  }
0x269: {  	[spmem:s19], [sflag:s7] =	dma.local [hbm:s25], $0x800  }
0x26a: {  	_ =	swait.ge [sflag:s23], $0x800  }
0x26b: {  	s25 =	sld [smem:$0x7FD]  }
0x26c: {  	[sflag:s23] =	ssyncset.done $0x0  }
0x26d: {  	[sflag:s23] =	ssyncadd.s32 $0xFFFFF800  }
0x26e: {  	[hbm:s25], [sflag:s30] =	dma.local [spmem:s18], $0x800  }
0x26f: {  	_ =	swait.ge [sflag:s21], $0x4000  }
0x270: {  	[sflag:s21] =	ssyncset.done $0x0  }
0x271: {  	[sflag:s21] =	ssyncadd.s32 $0xFFFFC000  }
0x272: {  	[hbm4b:s12+s2] =	stream.linear.scatter [tilespmem:s17], [sflag:$0x6], $0x4000, $0x38;
	[tilespmem:$0x18000] =	vst v63  }
0x273: {  	_ =	swait.ge [sflag:s20], $0x800  }
0x274: {  	[sflag:s20] =	ssyncset.done $0x0  }
0x275: {  	[sflag:s20] =	ssyncadd.s32 $0xFFFFF800  }
0x276: {  	[hbm:s8], [sflag:s31] =	dma.local [spmem:s16], $0x800  }
0x277: {  	_ =	swait.ge [sflag:s15], $0x4000  }
0x278: {  	[sflag:s15] =	ssyncset.done $0x0  }
0x279: {  	[sflag:s15] =	ssyncadd.s32 $0xFFFFC000  }
0x27a: {  	[hbm4b:s6+s2] =	stream.linear.scatter [tilespmem:s2], [sflag:$0x4], $0x4000, $0x38;
	[tilespmem:$0x18000] =	vst v63  }
0x27b: {  	_ =	swait.ge [sflag:s10], $0x800  }
0x27c: {  	[sflag:s10] =	ssyncset.done $0x0  }
0x27d: {  	[sflag:s10] =	ssyncadd.s32 $0xFFFFF800  }
0x27e: {  	[hbm:s5], [sflag:s29] =	dma.local [spmem:s19], $0x800  }
0x27f: {  	_ =	swait.ge [sflag:s13], $0x4000  }
0x280: {  	[sflag:s13] =	ssyncset.done $0x0  }
0x281: {  	[sflag:s13] =	ssyncadd.s32 $0xFFFFC000  }
0x282: {  	_ =	swait.ge [sflag:s11], $0x800  }
0x283: {  	[sflag:s11] =	ssyncset.done $0x0  }
0x284: {  	[sflag:s11] =	ssyncadd.s32 $0xFFFFF800  }
0x285: {  	_ =	swait.ge [sflag:s9], $0x4000  }
0x286: {  	[sflag:s9] =	ssyncset.done $0x0  }
0x287: {  	[sflag:s9] =	ssyncadd.s32 $0xFFFFC000  }
0x288: {  	_ =	swait.ge [sflag:s14], $0x800  }
0x289: {  	[sflag:s14] =	ssyncset.done $0x0  }
0x28a: {  	p1 =	sne.s32 s0, $0x1;
	[sflag:s14] =	ssyncadd.s32 $0xFFFFF800  }
.Ltmp2:
0x28b: {  	_ =	swait.ge [sflag:s4], $0x4000;
	(pc) =	sbr.rel @p1 .LBB2_3-.Ltmp2, $4  }
0x28c: {  	[sflag:s4] =	ssyncset.done $0x0  }
0x28d: {  	[sflag:s4] =	ssyncadd.s32 $0xFFFFC000  }
0x28e: {  	_ =	swait.ge [sflag:s3], $0x800  }
0x28f: {  	s0 =	sadd.s32 $0xFFFFFFFF, s0;
	s1 =	rddreg [dreg:$0x4];
	[sflag:s3] =	ssyncset.done $0x0  }
0x290: {  	s30 =	rddreg [dreg:$0x3]  }
0x291: {  	s31 =	stileid.u32;
	s25 =	sld [smem:$0x7DD]  }
.LBB2_5:
0x292: {  	s0 =	rddreg [dreg:$0x5];
	[sflag:s3] =	ssyncadd.s32 @p0 $0xFFFFF800  }
0x293: {  	[tilespmem:s2], [sflag:$0x1] =	stream.linear.gather [hbm4b:s1+s2], $0x4000, $0x38;
	[tilespmem:$0x18000] =	vst v63  }
0x294: {  	[spmem:s19], [sflag:s7] =	dma.local [hbm:s0], $0x800  }
0x295: {  	s0 =	rddreg [dreg:$0x6]  }
0x296: {  	s29 =	sor.u32 $0x1C08, s25;
	s28 =	rddreg [dreg:$0x7]  }
0x297: {  	[tilespmem:s22], [sflag:$0x2] =	stream.linear.gather [hbm4b:s0+s2], $0x4000, $0x38;
	[tilespmem:$0x18000] =	vst v63  }
0x298: {  	[spmem:s18], [sflag:s29] =	dma.local [hbm:s28], $0x800  }
0x299: {  	s1 =	rddreg [dreg:$0x8]  }
0x29a: {  	[tilespmem:s17], [sflag:$0x3] =	stream.linear.gather [hbm4b:s1+s2], $0x4000, $0x38;
	[tilespmem:$0x18000] =	vst v63  }
0x29b: {  	_ =	swait.ge [sflag:s15], $0x4000  }
0x29c: {  	[sflag:s15] =	ssyncset.done $0x0  }
0x29d: {  	s26 =	rddreg [dreg:$0x9];
	[sflag:s15] =	ssyncadd.s32 $0xFFFFC000  }
0x29e: {  	[hbm4b:s26+s2] =	stream.linear.scatter [tilespmem:s2], [sflag:$0x4], $0x4000, $0x38;
	[tilespmem:$0x18000] =	vst v63  }
0x29f: {  	s28 =	rddreg [dreg:$0xa];
	s26 =	sor.u32 $0x1C09, s25  }
0x2a0: {  	[spmem:s16], [sflag:s26] =	dma.local [hbm:s28], $0x800  }
0x2a1: {  	_ =	swait.ge [sflag:s10], $0x800  }
0x2a2: {  	[sflag:s10] =	ssyncset.done $0x0  }
0x2a3: {  	s0 =	sor.u32 $0x1C0A, s25;
	s28 =	rddreg [dreg:$0xb];
	[sflag:s10] =	ssyncadd.s32 $0xFFFFF800  }
0x2a4: {  	[hbm:s28], [sflag:s0] =	dma.local [spmem:s19], $0x800  }
0x2a5: {  	_ =	swait.ge [sflag:s4], $0x4000  }
0x2a6: {  	[sflag:s4] =	ssyncset.done $0x0  }
0x2a7: {  	s28 =	rddreg [dreg:$0xc];
	[sflag:s4] =	ssyncadd.s32 $0xFFFFC000  }
0x2a8: {  	[tilespmem:s2], [sflag:$0x1] =	stream.linear.gather [hbm4b:s28+s2], $0x4000, $0x38;
	[tilespmem:$0x18000] =	vst v63  }
0x2a9: {  	_ =	swait.ge [sflag:s24], $0x4000  }
0x2aa: {  	[sflag:s24] =	ssyncset.done $0x0  }
0x2ab: {  	s28 =	rddreg [dreg:$0xd];
	[sflag:s24] =	ssyncadd.s32 $0xFFFFC000  }
0x2ac: {  	[hbm4b:s28+s2] =	stream.linear.scatter [tilespmem:s22], [sflag:$0x5], $0x4000, $0x38;
	[tilespmem:$0x18000] =	vst v63  }
0x2ad: {  	_ =	swait.ge [sflag:s3], $0x800  }
0x2ae: {  	[sflag:s3] =	ssyncset.done $0x0  }
0x2af: {  	s28 =	rddreg [dreg:$0xe];
	[sflag:s3] =	ssyncadd.s32 $0xFFFFF800  }
0x2b0: {  	[spmem:s19], [sflag:s7] =	dma.local [hbm:s28], $0x800  }
0x2b1: {  	_ =	swait.ge [sflag:s23], $0x800  }
0x2b2: {  	[sflag:s23] =	ssyncset.done $0x0  }
0x2b3: {  	s28 =	sor.u32 $0x1C0B, s25;
	s1 =	rddreg [dreg:$0xf];
	[sflag:s23] =	ssyncadd.s32 $0xFFFFF800  }
0x2b4: {  	[hbm:s1], [sflag:s28] =	dma.local [spmem:s18], $0x800  }
0x2b5: {  	_ =	swait.ge [sflag:s13], $0x4000  }
0x2b6: {  	[sflag:s13] =	ssyncset.done $0x0  }
0x2b7: {  	s1 =	rddreg [dreg:$0x10];
	[sflag:s13] =	ssyncadd.s32 $0xFFFFC000  }
0x2b8: {  	[tilespmem:s22], [sflag:$0x2] =	stream.linear.gather [hbm4b:s1+s2], $0x4000, $0x38;
	[tilespmem:$0x18000] =	vst v63  }
0x2b9: {  	_ =	swait.ge [sflag:s21], $0x4000  }
0x2ba: {  	[sflag:s21] =	ssyncset.done $0x0  }
0x2bb: {  	s1 =	rddreg [dreg:$0x11];
	[sflag:s21] =	ssyncadd.s32 $0xFFFFC000  }
0x2bc: {  	[hbm4b:s1+s2] =	stream.linear.scatter [tilespmem:s17], [sflag:$0x6], $0x4000, $0x38;
	[tilespmem:$0x18000] =	vst v63  }
0x2bd: {  	_ =	swait.ge [sflag:s11], $0x800  }
0x2be: {  	[sflag:s11] =	ssyncset.done $0x0  }
0x2bf: {  	s1 =	rddreg [dreg:$0x12];
	[sflag:s11] =	ssyncadd.s32 $0xFFFFF800  }
0x2c0: {  	[spmem:s18], [sflag:s29] =	dma.local [hbm:s1], $0x800  }
0x2c1: {  	_ =	swait.ge [sflag:s20], $0x800  }
0x2c2: {  	[sflag:s20] =	ssyncset.done $0x0  }
0x2c3: {  	s25 =	sor.u32 $0x1C0C, s25;
	s1 =	rddreg [dreg:$0x13];
	[sflag:s20] =	ssyncadd.s32 $0xFFFFF800  }
0x2c4: {  	[hbm:s1], [sflag:s25] =	dma.local [spmem:s16], $0x800  }
0x2c5: {  	_ =	swait.ge [sflag:s9], $0x4000  }
0x2c6: {  	[sflag:s9] =	ssyncset.done $0x0  }
0x2c7: {  	s1 =	rddreg [dreg:$0x14];
	[sflag:s9] =	ssyncadd.s32 $0xFFFFC000  }
0x2c8: {  	[tilespmem:s17], [sflag:$0x3] =	stream.linear.gather [hbm4b:s1+s2], $0x4000, $0x38;
	[tilespmem:$0x18000] =	vst v63  }
0x2c9: {  	_ =	swait.ge [sflag:s15], $0x4000  }
0x2ca: {  	[sflag:s15] =	ssyncset.done $0x0  }
0x2cb: {  	s1 =	rddreg [dreg:$0x15];
	[sflag:s15] =	ssyncadd.s32 $0xFFFFC000  }
0x2cc: {  	[hbm4b:s1+s2] =	stream.linear.scatter [tilespmem:s2], [sflag:$0x4], $0x4000, $0x38;
	[tilespmem:$0x18000] =	vst v63  }
0x2cd: {  	_ =	swait.ge [sflag:s14], $0x800  }
0x2ce: {  	[sflag:s14] =	ssyncset.done $0x0  }
0x2cf: {  	s1 =	rddreg [dreg:$0x16];
	[sflag:s14] =	ssyncadd.s32 $0xFFFFF800  }
0x2d0: {  	[spmem:s16], [sflag:s26] =	dma.local [hbm:s1], $0x800  }
0x2d1: {  	_ =	swait.ge [sflag:s10], $0x800  }
0x2d2: {  	[sflag:s10] =	ssyncset.done $0x0  }
0x2d3: {  	s1 =	rddreg [dreg:$0x17];
	[sflag:s10] =	ssyncadd.s32 $0xFFFFF800  }
0x2d4: {  	[hbm:s1], [sflag:s0] =	dma.local [spmem:s19], $0x800  }
0x2d5: {  	_ =	swait.ge [sflag:s4], $0x4000  }
0x2d6: {  	[sflag:s4] =	ssyncset.done $0x0  }
0x2d7: {  	s1 =	rddreg [dreg:$0x18];
	[sflag:s4] =	ssyncadd.s32 $0xFFFFC000  }
0x2d8: {  	[tilespmem:s2], [sflag:$0x1] =	stream.linear.gather [hbm4b:s1+s2], $0x4000, $0x38;
	[tilespmem:$0x18000] =	vst v63  }
0x2d9: {  	_ =	swait.ge [sflag:s24], $0x4000  }
0x2da: {  	[sflag:s24] =	ssyncset.done $0x0  }
0x2db: {  	s1 =	rddreg [dreg:$0x19];
	[sflag:s24] =	ssyncadd.s32 $0xFFFFC000  }
0x2dc: {  	[hbm4b:s1+s2] =	stream.linear.scatter [tilespmem:s22], [sflag:$0x5], $0x4000, $0x38;
	[tilespmem:$0x18000] =	vst v63  }
0x2dd: {  	_ =	swait.ge [sflag:s3], $0x800  }
0x2de: {  	[sflag:s3] =	ssyncset.done $0x0  }
0x2df: {  	s1 =	rddreg [dreg:$0x1a];
	[sflag:s3] =	ssyncadd.s32 $0xFFFFF800  }
0x2e0: {  	[spmem:s19], [sflag:s7] =	dma.local [hbm:s1], $0x800  }
0x2e1: {  	_ =	swait.ge [sflag:s23], $0x800  }
0x2e2: {  	[sflag:s23] =	ssyncset.done $0x0  }
0x2e3: {  	s1 =	rddreg [dreg:$0x1b];
	[sflag:s23] =	ssyncadd.s32 $0xFFFFF800  }
0x2e4: {  	[hbm:s1], [sflag:s28] =	dma.local [spmem:s18], $0x800  }
0x2e5: {  	_ =	swait.ge [sflag:s13], $0x4000  }
0x2e6: {  	[sflag:s13] =	ssyncset.done $0x0  }
0x2e7: {  	s1 =	rddreg [dreg:$0x1c];
	[sflag:s13] =	ssyncadd.s32 $0xFFFFC000  }
0x2e8: {  	[tilespmem:s22], [sflag:$0x2] =	stream.linear.gather [hbm4b:s1+s2], $0x4000, $0x38;
	[tilespmem:$0x18000] =	vst v63  }
0x2e9: {  	_ =	swait.ge [sflag:s21], $0x4000  }
0x2ea: {  	[sflag:s21] =	ssyncset.done $0x0  }
0x2eb: {  	s1 =	rddreg [dreg:$0x1d];
	[sflag:s21] =	ssyncadd.s32 $0xFFFFC000  }
0x2ec: {  	[hbm4b:s1+s2] =	stream.linear.scatter [tilespmem:s17], [sflag:$0x6], $0x4000, $0x38;
	[tilespmem:$0x18000] =	vst v63  }
0x2ed: {  	_ =	swait.ge [sflag:s11], $0x800  }
0x2ee: {  	[sflag:s11] =	ssyncset.done $0x0  }
0x2ef: {  	s1 =	rddreg [dreg:$0x1e];
	[sflag:s11] =	ssyncadd.s32 $0xFFFFF800  }
0x2f0: {  	[spmem:s18], [sflag:s29] =	dma.local [hbm:s1], $0x800  }
0x2f1: {  	_ =	swait.ge [sflag:s20], $0x800  }
0x2f2: {  	[sflag:s20] =	ssyncset.done $0x0  }
0x2f3: {  	s1 =	rddreg [dreg:$0x1f];
	[sflag:s20] =	ssyncadd.s32 $0xFFFFF800  }
0x2f4: {  	[hbm:s1], [sflag:s25] =	dma.local [spmem:s16], $0x800  }
0x2f5: {  	_ =	swait.ge [sflag:s9], $0x4000  }
0x2f6: {  	s1 =	sld [smem:$0x7DE]  }
0x2f7: {  	[sflag:s9] =	ssyncset.done $0x0  }
0x2f8: {  	[sflag:s9] =	ssyncadd.s32 $0xFFFFC000  }
0x2f9: {  	[tilespmem:s17], [sflag:$0x3] =	stream.linear.gather [hbm4b:s1+s2], $0x4000, $0x38;
	[tilespmem:$0x18000] =	vst v63  }
0x2fa: {  	_ =	swait.ge [sflag:s15], $0x4000  }
0x2fb: {  	s1 =	sld [smem:$0x7DF]  }
0x2fc: {  	[sflag:s15] =	ssyncset.done $0x0  }
0x2fd: {  	[sflag:s15] =	ssyncadd.s32 $0xFFFFC000  }
0x2fe: {  	[hbm4b:s1+s2] =	stream.linear.scatter [tilespmem:s2], [sflag:$0x4], $0x4000, $0x38;
	[tilespmem:$0x18000] =	vst v63  }
0x2ff: {  	_ =	swait.ge [sflag:s14], $0x800  }
0x300: {  	s1 =	sld [smem:$0x7E0]  }
0x301: {  	[sflag:s14] =	ssyncset.done $0x0  }
0x302: {  	[sflag:s14] =	ssyncadd.s32 $0xFFFFF800  }
0x303: {  	[spmem:s16], [sflag:s26] =	dma.local [hbm:s1], $0x800  }
0x304: {  	_ =	swait.ge [sflag:s10], $0x800  }
0x305: {  	s1 =	sld [smem:$0x7E1]  }
0x306: {  	[sflag:s10] =	ssyncset.done $0x0  }
0x307: {  	[sflag:s10] =	ssyncadd.s32 $0xFFFFF800  }
0x308: {  	[hbm:s1], [sflag:s0] =	dma.local [spmem:s19], $0x800  }
0x309: {  	_ =	swait.ge [sflag:s4], $0x4000  }
0x30a: {  	s1 =	sld [smem:$0x7E2]  }
0x30b: {  	[sflag:s4] =	ssyncset.done $0x0  }
0x30c: {  	[sflag:s4] =	ssyncadd.s32 $0xFFFFC000  }
0x30d: {  	[tilespmem:s2], [sflag:$0x1] =	stream.linear.gather [hbm4b:s1+s2], $0x4000, $0x38;
	[tilespmem:$0x18000] =	vst v63  }
0x30e: {  	_ =	swait.ge [sflag:s24], $0x4000  }
0x30f: {  	s1 =	sld [smem:$0x7E3]  }
0x310: {  	[sflag:s24] =	ssyncset.done $0x0  }
0x311: {  	[sflag:s24] =	ssyncadd.s32 $0xFFFFC000  }
0x312: {  	[hbm4b:s1+s2] =	stream.linear.scatter [tilespmem:s22], [sflag:$0x5], $0x4000, $0x38;
	[tilespmem:$0x18000] =	vst v63  }
0x313: {  	_ =	swait.ge [sflag:s3], $0x800  }
0x314: {  	s1 =	sld [smem:$0x7E4]  }
0x315: {  	[sflag:s3] =	ssyncset.done $0x0  }
0x316: {  	[sflag:s3] =	ssyncadd.s32 $0xFFFFF800  }
0x317: {  	[spmem:s19], [sflag:s7] =	dma.local [hbm:s1], $0x800  }
0x318: {  	_ =	swait.ge [sflag:s23], $0x800  }
0x319: {  	s1 =	sld [smem:$0x7E5]  }
0x31a: {  	[sflag:s23] =	ssyncset.done $0x0  }
0x31b: {  	[sflag:s23] =	ssyncadd.s32 $0xFFFFF800  }
0x31c: {  	[hbm:s1], [sflag:s28] =	dma.local [spmem:s18], $0x800  }
0x31d: {  	_ =	swait.ge [sflag:s13], $0x4000  }
0x31e: {  	s1 =	sld [smem:$0x7E6]  }
0x31f: {  	[sflag:s13] =	ssyncset.done $0x0  }
0x320: {  	[sflag:s13] =	ssyncadd.s32 $0xFFFFC000  }
0x321: {  	[tilespmem:s22], [sflag:$0x2] =	stream.linear.gather [hbm4b:s1+s2], $0x4000, $0x38;
	[tilespmem:$0x18000] =	vst v63  }
0x322: {  	_ =	swait.ge [sflag:s21], $0x4000  }
0x323: {  	s1 =	sld [smem:$0x7E7]  }
0x324: {  	[sflag:s21] =	ssyncset.done $0x0  }
0x325: {  	[sflag:s21] =	ssyncadd.s32 $0xFFFFC000  }
0x326: {  	[hbm4b:s1+s2] =	stream.linear.scatter [tilespmem:s17], [sflag:$0x6], $0x4000, $0x38;
	[tilespmem:$0x18000] =	vst v63  }
0x327: {  	_ =	swait.ge [sflag:s11], $0x800  }
0x328: {  	s1 =	sld [smem:$0x7E8]  }
0x329: {  	[sflag:s11] =	ssyncset.done $0x0  }
0x32a: {  	[sflag:s11] =	ssyncadd.s32 $0xFFFFF800  }
0x32b: {  	[spmem:s18], [sflag:s29] =	dma.local [hbm:s1], $0x800  }
0x32c: {  	_ =	swait.ge [sflag:s20], $0x800  }
0x32d: {  	s1 =	sld [smem:$0x7E9]  }
0x32e: {  	[sflag:s20] =	ssyncset.done $0x0  }
0x32f: {  	[sflag:s20] =	ssyncadd.s32 $0xFFFFF800  }
0x330: {  	[hbm:s1], [sflag:s25] =	dma.local [spmem:s16], $0x800  }
0x331: {  	_ =	swait.ge [sflag:s9], $0x4000  }
0x332: {  	s1 =	sld [smem:$0x7EA]  }
0x333: {  	[sflag:s9] =	ssyncset.done $0x0  }
0x334: {  	[sflag:s9] =	ssyncadd.s32 $0xFFFFC000  }
0x335: {  	[tilespmem:s17], [sflag:$0x3] =	stream.linear.gather [hbm4b:s1+s2], $0x4000, $0x38;
	[tilespmem:$0x18000] =	vst v63  }
0x336: {  	_ =	swait.ge [sflag:s15], $0x4000  }
0x337: {  	s1 =	sld [smem:$0x7EB]  }
0x338: {  	[sflag:s15] =	ssyncset.done $0x0  }
0x339: {  	[sflag:s15] =	ssyncadd.s32 $0xFFFFC000  }
0x33a: {  	[hbm4b:s1+s2] =	stream.linear.scatter [tilespmem:s2], [sflag:$0x4], $0x4000, $0x38;
	[tilespmem:$0x18000] =	vst v63  }
0x33b: {  	_ =	swait.ge [sflag:s14], $0x800  }
0x33c: {  	s1 =	sld [smem:$0x7EC]  }
0x33d: {  	[sflag:s14] =	ssyncset.done $0x0  }
0x33e: {  	[sflag:s14] =	ssyncadd.s32 $0xFFFFF800  }
0x33f: {  	[spmem:s16], [sflag:s26] =	dma.local [hbm:s1], $0x800  }
0x340: {  	_ =	swait.ge [sflag:s10], $0x800  }
0x341: {  	s1 =	sld [smem:$0x7ED]  }
0x342: {  	[sflag:s10] =	ssyncset.done $0x0  }
0x343: {  	[sflag:s10] =	ssyncadd.s32 $0xFFFFF800  }
0x344: {  	[hbm:s1], [sflag:s0] =	dma.local [spmem:s19], $0x800  }
0x345: {  	_ =	swait.ge [sflag:s4], $0x4000  }
0x346: {  	s1 =	sld [smem:$0x7EE]  }
0x347: {  	[sflag:s4] =	ssyncset.done $0x0  }
0x348: {  	[sflag:s4] =	ssyncadd.s32 $0xFFFFC000  }
0x349: {  	[tilespmem:s2], [sflag:$0x1] =	stream.linear.gather [hbm4b:s1+s2], $0x4000, $0x38;
	[tilespmem:$0x18000] =	vst v63  }
0x34a: {  	_ =	swait.ge [sflag:s24], $0x4000  }
0x34b: {  	s1 =	sld [smem:$0x7EF]  }
0x34c: {  	[sflag:s24] =	ssyncset.done $0x0  }
0x34d: {  	[sflag:s24] =	ssyncadd.s32 $0xFFFFC000  }
0x34e: {  	[hbm4b:s1+s2] =	stream.linear.scatter [tilespmem:s22], [sflag:$0x5], $0x4000, $0x38;
	[tilespmem:$0x18000] =	vst v63  }
0x34f: {  	_ =	swait.ge [sflag:s3], $0x800  }
0x350: {  	s1 =	sld [smem:$0x7F0]  }
0x351: {  	[sflag:s3] =	ssyncset.done $0x0  }
0x352: {  	[sflag:s3] =	ssyncadd.s32 $0xFFFFF800  }
0x353: {  	[spmem:s19], [sflag:s7] =	dma.local [hbm:s1], $0x800  }
0x354: {  	_ =	swait.ge [sflag:s23], $0x800  }
0x355: {  	s1 =	sld [smem:$0x7F1]  }
0x356: {  	[sflag:s23] =	ssyncset.done $0x0  }
0x357: {  	[sflag:s23] =	ssyncadd.s32 $0xFFFFF800  }
0x358: {  	[hbm:s1], [sflag:s28] =	dma.local [spmem:s18], $0x800  }
0x359: {  	_ =	swait.ge [sflag:s13], $0x4000  }
0x35a: {  	s1 =	sld [smem:$0x7F2]  }
0x35b: {  	[sflag:s13] =	ssyncset.done $0x0  }
0x35c: {  	[sflag:s13] =	ssyncadd.s32 $0xFFFFC000  }
0x35d: {  	[tilespmem:s22], [sflag:$0x2] =	stream.linear.gather [hbm4b:s1+s2], $0x4000, $0x38;
	[tilespmem:$0x18000] =	vst v63  }
0x35e: {  	_ =	swait.ge [sflag:s21], $0x4000  }
0x35f: {  	s1 =	sld [smem:$0x7F3]  }
0x360: {  	[sflag:s21] =	ssyncset.done $0x0  }
0x361: {  	[sflag:s21] =	ssyncadd.s32 $0xFFFFC000  }
0x362: {  	[hbm4b:s1+s2] =	stream.linear.scatter [tilespmem:s17], [sflag:$0x6], $0x4000, $0x38;
	[tilespmem:$0x18000] =	vst v63  }
0x363: {  	_ =	swait.ge [sflag:s11], $0x800  }
0x364: {  	s1 =	sld [smem:$0x7F4]  }
0x365: {  	[sflag:s11] =	ssyncset.done $0x0  }
0x366: {  	[sflag:s11] =	ssyncadd.s32 $0xFFFFF800  }
0x367: {  	[spmem:s18], [sflag:s29] =	dma.local [hbm:s1], $0x800  }
0x368: {  	_ =	swait.ge [sflag:s20], $0x800  }
0x369: {  	s29 =	sld [smem:$0x7F5]  }
0x36a: {  	[sflag:s20] =	ssyncset.done $0x0  }
0x36b: {  	[sflag:s20] =	ssyncadd.s32 $0xFFFFF800  }
0x36c: {  	[hbm:s29], [sflag:s25] =	dma.local [spmem:s16], $0x800  }
0x36d: {  	_ =	swait.ge [sflag:s9], $0x4000  }
0x36e: {  	s29 =	sld [smem:$0x7F6]  }
0x36f: {  	[sflag:s9] =	ssyncset.done $0x0  }
0x370: {  	[sflag:s9] =	ssyncadd.s32 $0xFFFFC000  }
0x371: {  	[tilespmem:s17], [sflag:$0x3] =	stream.linear.gather [hbm4b:s29+s2], $0x4000, $0x38;
	[tilespmem:$0x18000] =	vst v63  }
0x372: {  	_ =	swait.ge [sflag:s15], $0x4000  }
0x373: {  	s29 =	sld [smem:$0x7F7]  }
0x374: {  	[sflag:s15] =	ssyncset.done $0x0  }
0x375: {  	[sflag:s15] =	ssyncadd.s32 $0xFFFFC000  }
0x376: {  	[hbm4b:s29+s2] =	stream.linear.scatter [tilespmem:s2], [sflag:$0x4], $0x4000, $0x38;
	[tilespmem:$0x18000] =	vst v63  }
0x377: {  	_ =	swait.ge [sflag:s14], $0x800  }
0x378: {  	s29 =	sld [smem:$0x7F8]  }
0x379: {  	[sflag:s14] =	ssyncset.done $0x0  }
0x37a: {  	[sflag:s14] =	ssyncadd.s32 $0xFFFFF800  }
0x37b: {  	[spmem:s16], [sflag:s26] =	dma.local [hbm:s29], $0x800  }
0x37c: {  	_ =	swait.ge [sflag:s10], $0x800  }
0x37d: {  	s29 =	sld [smem:$0x7F9]  }
0x37e: {  	[sflag:s10] =	ssyncset.done $0x0  }
0x37f: {  	[sflag:s10] =	ssyncadd.s32 $0xFFFFF800  }
0x380: {  	[hbm:s29], [sflag:s0] =	dma.local [spmem:s19], $0x800  }
0x381: {  	_ =	swait.ge [sflag:s4], $0x4000  }
0x382: {  	s26 =	sld [smem:$0x7FA]  }
0x383: {  	[sflag:s4] =	ssyncset.done $0x0  }
0x384: {  	[sflag:s4] =	ssyncadd.s32 $0xFFFFC000  }
0x385: {  	[tilespmem:s2], [sflag:$0x1] =	stream.linear.gather [hbm4b:s26+s2], $0x4000, $0x38;
	[tilespmem:$0x18000] =	vst v63  }
0x386: {  	_ =	swait.ge [sflag:s24], $0x4000  }
0x387: {  	s29 =	sld [smem:$0x7FB]  }
0x388: {  	[sflag:s24] =	ssyncset.done $0x0  }
0x389: {  	[sflag:s24] =	ssyncadd.s32 $0xFFFFC000  }
0x38a: {  	[hbm4b:s29+s2] =	stream.linear.scatter [tilespmem:s22], [sflag:$0x5], $0x4000, $0x38;
	[tilespmem:$0x18000] =	vst v63  }
0x38b: {  	_ =	swait.ge [sflag:s3], $0x800  }
0x38c: {  	s26 =	sld [smem:$0x7FC]  }
0x38d: {  	[sflag:s3] =	ssyncset.done $0x0  }
0x38e: {  	[sflag:s3] =	ssyncadd.s32 $0xFFFFF800  }
0x38f: {  	[spmem:s19], [sflag:s7] =	dma.local [hbm:s26], $0x800  }
0x390: {  	_ =	swait.ge [sflag:s23], $0x800  }
0x391: {  	s29 =	sld [smem:$0x7FD]  }
0x392: {  	[sflag:s23] =	ssyncset.done $0x0  }
0x393: {  	[sflag:s23] =	ssyncadd.s32 $0xFFFFF800  }
0x394: {  	[hbm:s29], [sflag:s28] =	dma.local [spmem:s18], $0x800  }
0x395: {  	_ =	swait.ge [sflag:s21], $0x4000  }
0x396: {  	[sflag:s21] =	ssyncset.done $0x0  }
0x397: {  	[sflag:s21] =	ssyncadd.s32 $0xFFFFC000  }
0x398: {  	[hbm4b:s12+s2] =	stream.linear.scatter [tilespmem:s17], [sflag:$0x6], $0x4000, $0x38;
	[tilespmem:$0x18000] =	vst v63  }
0x399: {  	_ =	swait.ge [sflag:s20], $0x800  }
0x39a: {  	[sflag:s20] =	ssyncset.done $0x0  }
0x39b: {  	[sflag:s20] =	ssyncadd.s32 $0xFFFFF800  }
0x39c: {  	[hbm:s8], [sflag:s25] =	dma.local [spmem:s16], $0x800  }
0x39d: {  	_ =	swait.ge [sflag:s15], $0x4000  }
0x39e: {  	[sflag:s15] =	ssyncset.done $0x0  }
0x39f: {  	[sflag:s15] =	ssyncadd.s32 $0xFFFFC000  }
0x3a0: {  	[hbm4b:s6+s2] =	stream.linear.scatter [tilespmem:s2], [sflag:$0x4], $0x4000, $0x38;
	[tilespmem:$0x18000] =	vst v63  }
0x3a1: {  	_ =	swait.ge [sflag:s10], $0x800  }
0x3a2: {  	[sflag:s10] =	ssyncset.done $0x0  }
0x3a3: {  	[sflag:s10] =	ssyncadd.s32 $0xFFFFF800  }
0x3a4: {  	[hbm:s5], [sflag:s0] =	dma.local [spmem:s19], $0x800  }
0x3a5: {  	_ =	swait.ge [sflag:s13], $0x4000  }
0x3a6: {  	[sflag:s13] =	ssyncset.done $0x0  }
0x3a7: {  	[sflag:s13] =	ssyncadd.s32 $0xFFFFC000  }
0x3a8: {  	_ =	swait.ge [sflag:s11], $0x800  }
0x3a9: {  	[sflag:s11] =	ssyncset.done $0x0  }
0x3aa: {  	[sflag:s11] =	ssyncadd.s32 $0xFFFFF800  }
0x3ab: {  	_ =	swait.ge [sflag:s9], $0x4000  }
0x3ac: {  	[sflag:s9] =	ssyncset.done $0x0  }
0x3ad: {  	[sflag:s9] =	ssyncadd.s32 $0xFFFFC000  }
0x3ae: {  	_ =	swait.ge [sflag:s14], $0x800  }
0x3af: {  	[sflag:s14] =	ssyncset.done $0x0  }
0x3b0: {  	[sflag:s14] =	ssyncadd.s32 $0xFFFFF800  }
0x3b1: {  	_ =	swait.ge [sflag:s4], $0x4000  }
0x3b2: {  	[sflag:s4] =	ssyncset.done $0x0  }
0x3b3: {  	[sflag:s4] =	ssyncadd.s32 $0xFFFFC000  }
0x3b4: {  	_ =	swait.ge [sflag:s3], $0x800  }
0x3b5: {  	[sflag:s3] =	ssyncset.done $0x0  }
0x3b6: {  	[sflag:s3] =	ssyncadd.s32 $0xFFFFF800  }
0x3b7: {  	_ =	sfence.sel $0x180000  }
0x3b8: {  	[bflag:$0x0] =	sbarrier.arrive $0xFFFF  }
0x3b9: {  	p0 =	sne.s32 s31, $0x0;
	_ =	strace $0x90000047  }
0x3ba: {  	s0 =	sadd.s32 @!p0 $0x100000, s30;
	[bflag:$0x2] =	sbarrier.arrive $0xFFFF  }
0x3bb: {  	[sflag:s0] =	ssyncadd.tile.s32 @!p0 $0x1;
	_ =	shalt  }
.LBB2_2:
.Ltmp3:
0x3bc: {  	(pc) =	sbr.rel .LBB2_5-.Ltmp3, $3  }
0x3bd: {  	_ =	sdelay $0x1  }
0x3be: {  	s30 =	rddreg [dreg:$0x3]  }
0x3bf: {  	s31 =	stileid.u32;
	s25 =	sld [smem:$0x7DD]  }
.Lfunc_end2:
_tile_overlayer_lowered:
.L_overlay_start_2:
0x3c0: {  	(tag) =	ssettag $0x2  }
0x3c1: {  	s0 =	rddreg [dreg:$0x0];
	s2 =	stileid.u32  }
0x3c2: {  	s1 =	rddreg [dreg:$0x1];
	p0 =	sne.s32 s2, $0x0  }
0x3c3: {  	s3 =	rddreg [dreg:$0x2];
	[bflag:$0x3] =	sbarrier.arrive $0xFFFF;
	s2 =	simm.s32 @!p0 $0x1C0D  }
0x3c4: {  	[timem:s3], [sflag:s2] =	dma.local @!p0 [hbm:s0], s1  }
0x3c5: {  	s0 =	simm.s32 @!p0 $0xD  }
0x3c6: {  	_ =	swait.ge @!p0 [sflag:s0], s1  }
0x3c7: {  	s1 =	ssub.s32 @!p0 $0x0, s1;
	[sflag:s0] =	ssyncset.done @!p0 $0x0  }
0x3c8: {  	[sflag:s0] =	ssyncadd.s32 @!p0 s1  }
0x3c9: {  	[bflag:$0x3] =	sbarrier.arrive $0xFFFF  }
0x3ca: {  	_ =	shalt  }

</sc_bundles>
